<compile_context>
chip_gen: v7x
topology: tpu7x:2x2x1
jax: 0.10.2.dev20260603
libtpu: 0.0.44.dev20260713+nightly
codegen_flags: <defaults>
</compile_context>

<pallas_src>
import functools

import numpy as np

import jax
import jax.numpy as jnp
from jax import lax
from jax.experimental import pallas as pl
from jax.experimental.pallas import tpu as pltpu
from jax.experimental.pallas import tpu_sc as plsc

GRID_SIZE = 3
SPACING = 2
IMAGE_SIZE = 512
GSD = 0.2
C = 5
D = 256
TOKEN_DIM = 6

B = 2
L = 512
S = GRID_SIZE * GRID_SIZE
N = L * S
Q = N * C
ROWS = B * N * C
WORDS = ROWS * TOKEN_DIM
NW = 32
WPW = WORDS // NW

BL = 128
NJ = L // BL
CL = 32
NCH = BL // CL
GRP = S * C
CQ = CL * GRP

HW = IMAGE_SIZE * IMAGE_SIZE
TROWS = B * C * TOKEN_DIM * HW // 8


_P = np.arange(240)
_BNOFF = (_P // (C * TOKEN_DIM)).astype(np.int32)
_SOFF = ((_P % (C * TOKEN_DIM)) * HW).astype(np.int32)
_SG_BN = 8
_NSG = WPW // 240


def _sc_gather(table_flat, within2, bnoff, soff):
    mesh = plsc.VectorSubcoreMesh(core_axis_name="c", subcore_axis_name="s")

    @functools.partial(
        pl.kernel,
        out_type=jax.ShapeDtypeStruct((WORDS,), jnp.float32),
        mesh=mesh,
        scratch_types=[
            pltpu.VMEM((B * N + 16,), jnp.int32),
            pltpu.VMEM((240,), jnp.int32),
            pltpu.VMEM((240,), jnp.int32),
            pltpu.VMEM((WPW,), jnp.int32),
            pltpu.VMEM((WPW,), jnp.float32),
            pltpu.SemaphoreType.DMA,
        ],
        compiler_params=pltpu.CompilerParams(use_tc_tiling_on_sc=False),
    )
    def k(table_hbm, win_hbm, bnoff_hbm, soff_hbm, out_hbm, win_v, bnoff_v,
          soff_v, addr_v, out_v, sem):
        wid = lax.axis_index("s") * 2 + lax.axis_index("c")
        base = wid * WPW
        base_bn = wid * (WPW // (C * TOKEN_DIM))
        pltpu.sync_copy(win_hbm, win_v.at[pl.ds(0, B * N)])
        pltpu.sync_copy(bnoff_hbm, bnoff_v)
        pltpu.sync_copy(soff_hbm, soff_v)

        dnums = lax.GatherDimensionNumbers(
            offset_dims=(), collapsed_slice_dims=(0,), start_index_map=(0,))

        def body(g, _):
            bn0 = base_bn + g * _SG_BN
            win16 = win_v[pl.ds(bn0, 16)]
            for j in range(15):
                win = lax.gather(
                    win16, bnoff_v[pl.ds(j * 16, 16)][:, None], dnums, (1,),
                    mode=lax.GatherScatterMode.PROMISE_IN_BOUNDS)
                addr_v[pl.ds(g * 240 + j * 16, 16)] = (
                    win + soff_v[pl.ds(j * 16, 16)])
            return 0

        lax.fori_loop(0, _NSG, body, 0)
        pltpu.async_copy(table_hbm.at[addr_v], out_v, sem).wait()
        pltpu.sync_copy(out_v, out_hbm.at[pl.ds(base, WPW)])

    return k(table_flat, within2, bnoff, soff)


def _tc_body(tokens_ref, latents_ref, coords_ref, wq_ref, wk_ref, wpk_ref,
             wv_ref, wout_ref, bout_ref, out_ref, pt_scr, vw_scr):
    j = pl.program_id(1)

    @pl.when(j == 0)
    def _():
        lat = latents_ref[0]
        kmat = (jnp.dot(lat, wk_ref[...], preferred_element_type=jnp.float32)
                + jnp.dot(coords_ref[0], wpk_ref[...],
                          preferred_element_type=jnp.float32))
        pt_scr[...] = lax.dot_general(
            wq_ref[...], kmat, (((1,), (1,)), ((), ())),
            preferred_element_type=jnp.float32) * (1.0 / (D ** 0.5))
        u = jnp.dot(wv_ref[...], wout_ref[...],
                    preferred_element_type=jnp.float32)
        vw_scr[...] = lax.dot_general(
            u, lat, (((0,), (1,)), ((), ())),
            preferred_element_type=jnp.float32)

    p_mat = pt_scr[...]
    vw = vw_scr[...]
    b_out = bout_ref[0, 0]
    errs = []
    for ch in range(NCH):
        toks6 = tokens_ref[pl.ds(ch * CQ, CQ), :]
        toks = jnp.concatenate(
            [toks6, jnp.zeros((CQ, 2), jnp.float32)], axis=1)
        scores = lax.dot_general(
            toks, p_mat, (((1,), (0,)), ((), ())),
            preferred_element_type=jnp.float32)
        m = jnp.max(scores, axis=1, keepdims=True)
        e = jnp.exp(scores - m)
        z = jnp.sum(e, axis=1, keepdims=True)
        w = lax.dot_general(e, vw, (((1,), (1,)), ((), ())),
                            preferred_element_type=jnp.float32)
        pred = w / z + b_out
        sq = (pred - toks6[:, 0:1]) ** 2
        rows_l = lax.broadcasted_iota(jnp.int32, (CQ, CL), 0) // GRP
        cols_l = lax.broadcasted_iota(jnp.int32, (CQ, CL), 1)
        msk = (rows_l == cols_l).astype(jnp.float32)
        err = lax.dot_general(sq, msk, (((0,), (0,)), ((), ())),
                              preferred_element_type=jnp.float32)
        errs.append(err * (1.0 / GRP))
    out_ref[...] = jnp.concatenate(errs, axis=1).reshape(1, 1, 1, BL)


def _tc_main(tokens, latents, latent_coords, Wq8, Wk, Wpk, Wv, w_out2,
             b_out2):
    tq = BL * GRP
    out = pl.pallas_call(
        _tc_body,
        grid=(B, NJ),
        in_specs=[
            pl.BlockSpec((tq, TOKEN_DIM), lambda b, j: (b * NJ + j, 0)),
            pl.BlockSpec((1, L, D), lambda b, j: (b, 0, 0)),
            pl.BlockSpec((1, L, 2), lambda b, j: (b, 0, 0)),
            pl.BlockSpec((8, D), lambda b, j: (0, 0)),
            pl.BlockSpec((D, D), lambda b, j: (0, 0)),
            pl.BlockSpec((2, D), lambda b, j: (0, 0)),
            pl.BlockSpec((D, D), lambda b, j: (0, 0)),
            pl.BlockSpec((D, 1), lambda b, j: (0, 0)),
            pl.BlockSpec((1, 1), lambda b, j: (0, 0)),
        ],
        out_specs=pl.BlockSpec((1, 1, 1, BL), lambda b, j: (b, j, 0, 0)),
        out_shape=jax.ShapeDtypeStruct((B, NJ, 1, BL), jnp.float32),
        scratch_shapes=[
            pltpu.VMEM((8, L), jnp.float32),
            pltpu.VMEM((1, L), jnp.float32),
        ],
    )(tokens, latents, latent_coords, Wq8, Wk, Wpk, Wv, w_out2, b_out2)
    return out.reshape(B, L)


def kernel(positions, latents, latent_coords, image_err, Wq, Wk, Wpk, Wv,
           w_out, b_out):
    pix = positions / GSD + IMAGE_SIZE / 2.0
    offs = (jnp.arange(GRID_SIZE, dtype=jnp.float32)
            - (GRID_SIZE - 1) / 2.0) * SPACING
    oy, ox = jnp.meshgrid(offs, offs, indexing="ij")
    grid = jnp.stack([ox.ravel(), oy.ravel()], axis=-1)
    coords = pix[:, :, None, :] + grid[None, None, :, :]
    coords = jnp.clip(coords, 0.0, IMAGE_SIZE - 1.0).reshape(B, N, 2)
    idx = jnp.round(coords).astype(jnp.int32)
    x = jnp.clip(idx[..., 0], 0, IMAGE_SIZE - 1)
    y = jnp.clip(idx[..., 1], 0, IMAGE_SIZE - 1)

    within = ((y >> 3) * 4096 + (x >> 7) * 1024
              + (y & 7) * 128 + (x & 127))
    boff = (jnp.arange(B, dtype=jnp.int32)
            * (C * TOKEN_DIM * HW))[:, None]
    within2 = (within + boff).reshape(B * N)

    t1 = jnp.transpose(image_err, (0, 1, 4, 2, 3))
    t2 = t1.reshape(B, C, TOKEN_DIM, IMAGE_SIZE // 8, 8,
                    IMAGE_SIZE // 128, 128)
    t3 = jnp.transpose(t2, (0, 1, 2, 3, 5, 4, 6))
    table_flat = t3.reshape(TROWS * 8)

    vals = _sc_gather(table_flat, within2, jnp.asarray(_BNOFF),
                      jnp.asarray(_SOFF)).reshape(B * Q, TOKEN_DIM)

    Wq8 = jnp.pad(Wq, ((0, 2), (0, 0)))
    return _tc_main(vals, latents, latent_coords, Wq8, Wk, Wpk, Wv,
                    w_out.reshape(D, 1), b_out.reshape(1, 1))

# --- scband reference (transcript-rebuilt; emitter-appended) ---
"""Pipeline reference for scband-error-supervision-module-68891275428696 (READ-ONLY COPY).

The authoritative reference and input builder live on the scoring server;
editing this copy changes nothing except your own understanding.
"""

import jax, jax.numpy as jnp
import numpy as np

GRID_SIZE = 3
SPACING = 2
IMAGE_SIZE = 512
GSD = 0.2
C = 5
D = 256
TOKEN_DIM = 6


def setup_inputs(seed: int = 0):
    key = jax.random.key(seed)
    ks = jax.random.split(key, 10)
    B, L = 2, 512
    positions = (jax.random.uniform(ks[0], (B, L, 2), dtype=jnp.float32) - 0.5) * 80.0
    latents = jax.random.normal(ks[1], (B, L, D), dtype=jnp.float32)
    latent_coords = (jax.random.uniform(ks[2], (B, L, 2), dtype=jnp.float32) - 0.5) * 80.0
    image_err = jax.random.normal(ks[3], (B, C, IMAGE_SIZE, IMAGE_SIZE, 6), dtype=jnp.float32)
    Wq = jax.random.normal(ks[4], (TOKEN_DIM, D), dtype=jnp.float32) / np.sqrt(TOKEN_DIM)
    Wk = jax.random.normal(ks[5], (D, D), dtype=jnp.float32) / np.sqrt(D)
    Wpk = jax.random.normal(ks[6], (2, D), dtype=jnp.float32) * 0.1
    Wv = jax.random.normal(ks[7], (D, D), dtype=jnp.float32) / np.sqrt(D)
    w_out = jax.random.normal(ks[8], (D,), dtype=jnp.float32) / np.sqrt(D)
    b_out = jnp.zeros((), dtype=jnp.float32)
    return dict(positions=positions, latents=latents, latent_coords=latent_coords,
                image_err=image_err, Wq=Wq, Wk=Wk, Wpk=Wpk, Wv=Wv, w_out=w_out, b_out=b_out)


def _meters_to_pixels(pos):
    return pos / GSD + IMAGE_SIZE / 2.0


def _sample_grid_around_positions(pix):
    offs = (jnp.arange(GRID_SIZE, dtype=jnp.float32) - (GRID_SIZE - 1) / 2.0) * SPACING
    oy, ox = jnp.meshgrid(offs, offs, indexing='ij')
    grid = jnp.stack([ox.ravel(), oy.ravel()], axis=-1)  # [GRID_SIZE**2, 2]
    coords = pix[:, :, None, :] + grid[None, None, :, :]  # [B, L, S, 2]
    return jnp.clip(coords, 0.0, IMAGE_SIZE - 1.0)


def _extract_query_tokens_from_image(image_err, coords_flat):
    # coords_flat: [B, N, 2] pixel coords; image_err: [B, C, H, W, 6]
    B, N, _ = coords_flat.shape
    idx = jax.lax.stop_gradient(jnp.round(coords_flat)).astype(jnp.int32)
    x = jnp.clip(idx[..., 0], 0, IMAGE_SIZE - 1)
    y = jnp.clip(idx[..., 1], 0, IMAGE_SIZE - 1)
    flat = image_err.reshape(B, C, IMAGE_SIZE * IMAGE_SIZE, 6)
    lin = y * IMAGE_SIZE + x  # [B, N]
    b_idx = jnp.arange(B)[:, None]
    vals = flat[b_idx, :, lin, :]  # gather -> [B, N, C, 6]
    query_tokens = vals.reshape(B, N * C, 6)
    ground_truth = vals[..., 0].reshape(B, N * C)
    return query_tokens, ground_truth


def _reconstruct(latents, latent_coords, query_tokens, Wq, Wk, Wpk, Wv, w_out, b_out):
    q = query_tokens @ Wq                                   # [B, Q, D]
    k = latents @ Wk + latent_coords @ Wpk                  # [B, L, D]
    v = latents @ Wv                                        # [B, L, D]
    scores = jnp.einsum('bqd,bld->bql', q, k) / jnp.sqrt(jnp.float32(D))
    attn = jax.nn.softmax(scores, axis=-1)
    dec = jnp.einsum('bql,bld->bqd', attn, v)               # [B, Q, D]
    return dec @ w_out + b_out                              # [B, Q]


def reference(positions, latents, latent_coords, image_err, Wq, Wk, Wpk, Wv, w_out, b_out):
    B, L, _ = positions.shape
    positions_pixels = _meters_to_pixels(positions)
    sample_coords = _sample_grid_around_positions(positions_pixels)   # [B, L, S, 2]
    num_samples = sample_coords.shape[-2]
    sample_coords_flat = sample_coords.reshape(B, -1, 2)
    query_tokens, ground_truth = _extract_query_tokens_from_image(image_err, sample_coords_flat)
    predictions = _reconstruct(latents, latent_coords, query_tokens, Wq, Wk, Wpk, Wv, w_out, b_out)
    errors = (predictions - ground_truth) ** 2
    errors = errors.reshape(B, L, num_samples, C)
    return errors.mean(axis=(-1, -2))  # [B, L]

if __name__ == "__main__":
    import jax
    _d = setup_inputs()
    print(jax.jit(kernel)(*tuple(_d.values())))

</pallas_src>

<mosaic_0001>
#map = affine_map<(d0, d1) -> (0)>
module attributes {stable_mosaic.version = 14 : i64} {
  func.func @k(%arg0: i32, %arg1: i32, %arg2: memref<15728640xf32, #tpu.memory_space<hbm>>, %arg3: memref<9216xi32, #tpu.memory_space<hbm>>, %arg4: memref<240xi32, #tpu.memory_space<hbm>>, %arg5: memref<240xi32, #tpu.memory_space<hbm>>, %arg6: memref<276480xf32, #tpu.memory_space<hbm>>, %arg7: memref<9232xi32, #tpu.memory_space<vmem>>, %arg8: memref<240xi32, #tpu.memory_space<vmem>>, %arg9: memref<240xi32, #tpu.memory_space<vmem>>, %arg10: memref<8640xi32, #tpu.memory_space<vmem>>, %arg11: memref<8640xf32, #tpu.memory_space<vmem>>, %arg12: memref<!tpu.dma_semaphore, #tpu.memory_space<semaphore_mem>>) attributes {dimension_semantics = [#tpu.dimension_semantics<core_parallel>, #tpu.dimension_semantics<subcore_parallel>], iteration_bounds = array<i64: 2, 16>, scalar_prefetch = 0 : i64, scratch_operands = 6 : i64, tpu.core_type = #tpu.core_type<sc_vector_subcore>, window_params = [{transform_indices = #map}, {transform_indices = #map}, {transform_indices = #map}, {transform_indices = #map}, {transform_indices = #map}]} {
    %mul3A = arith.constant 2 : i32
    %mul3A_0 = arith.muli %arg1, %mul3A : i32
    %add3A = arith.addi %mul3A_0, %arg0 : i32
    %mul3A_1 = arith.constant 8640 : i32
    %mul3A_2 = arith.muli %add3A, %mul3A_1 : i32
    %mul3A_3 = arith.constant 288 : i32
    %mul3A_4 = arith.muli %add3A, %mul3A_3 : i32
    "tpu.region"() ({
      %run_scoped3A = tpu.sem_alloc : memref<!tpu.dma_semaphore, #tpu.memory_space<semaphore_mem>>
      %dma_start3A_13 = arith.constant 0 : i32
      %dma_start3A_14 = tpu.memref_slice %arg7[%dma_start3A_13] : memref<9232xi32, #tpu.memory_space<vmem>> -> memref<9216xi32, #tpu.memory_space<vmem>>
      %dma_start3A_15 = arith.constant 0 : i32
      %dma_start3A_16 = tpu.memref_slice %arg7[%dma_start3A_15] : memref<9232xi32, #tpu.memory_space<vmem>> -> memref<9216xi32, #tpu.memory_space<vmem>>
      tpu.enqueue_dma source(%arg3 : memref<9216xi32, #tpu.memory_space<hbm>>) target(%dma_start3A_16 : memref<9216xi32, #tpu.memory_space<vmem>>) target_semaphore(%run_scoped3A : memref<!tpu.dma_semaphore, #tpu.memory_space<semaphore_mem>>)
      %dma_wait3A_17 = arith.constant 0 : i32
      %dma_wait3A_18 = tpu.memref_slice %arg7[%dma_wait3A_17] : memref<9232xi32, #tpu.memory_space<vmem>> -> memref<9216xi32, #tpu.memory_space<vmem>>
      %dma_wait3A_19 = arith.constant 0 : i32
      %dma_wait3A_20 = tpu.memref_slice %arg7[%dma_wait3A_19] : memref<9232xi32, #tpu.memory_space<vmem>> -> memref<9216xi32, #tpu.memory_space<vmem>>
      tpu.wait_dma2 semaphore(%run_scoped3A : memref<!tpu.dma_semaphore, #tpu.memory_space<semaphore_mem>>) src(%arg3 : memref<9216xi32, #tpu.memory_space<hbm>>) dst(%dma_wait3A_20 : memref<9216xi32, #tpu.memory_space<vmem>>)
      tpu.yield
    }) : () -> ()
    "tpu.region"() ({
      %run_scoped3A = tpu.sem_alloc : memref<!tpu.dma_semaphore, #tpu.memory_space<semaphore_mem>>
      tpu.enqueue_dma source(%arg4 : memref<240xi32, #tpu.memory_space<hbm>>) target(%arg8 : memref<240xi32, #tpu.memory_space<vmem>>) target_semaphore(%run_scoped3A : memref<!tpu.dma_semaphore, #tpu.memory_space<semaphore_mem>>)
      tpu.wait_dma2 semaphore(%run_scoped3A : memref<!tpu.dma_semaphore, #tpu.memory_space<semaphore_mem>>) src(%arg4 : memref<240xi32, #tpu.memory_space<hbm>>) dst(%arg8 : memref<240xi32, #tpu.memory_space<vmem>>)
      tpu.yield
    }) : () -> ()
    "tpu.region"() ({
      %run_scoped3A = tpu.sem_alloc : memref<!tpu.dma_semaphore, #tpu.memory_space<semaphore_mem>>
      tpu.enqueue_dma source(%arg5 : memref<240xi32, #tpu.memory_space<hbm>>) target(%arg9 : memref<240xi32, #tpu.memory_space<vmem>>) target_semaphore(%run_scoped3A : memref<!tpu.dma_semaphore, #tpu.memory_space<semaphore_mem>>)
      tpu.wait_dma2 semaphore(%run_scoped3A : memref<!tpu.dma_semaphore, #tpu.memory_space<semaphore_mem>>) src(%arg5 : memref<240xi32, #tpu.memory_space<hbm>>) dst(%arg9 : memref<240xi32, #tpu.memory_space<vmem>>)
      tpu.yield
    }) : () -> ()
    %scan3A = arith.constant 0 : i32
    %scan3A_5 = arith.constant 0 : i32
    %scan3A_6 = arith.constant 36 : i32
    %scan3A_7 = arith.addi %scan3A_5, %scan3A_6 : i32
    %scan3A_8 = arith.constant 1 : i32
    %scan3A_9 = scf.for %scan3A_13 = %scan3A_5 to %scan3A_7 step %scan3A_8 iter_args(%scan3A_14 = %scan3A) -> (i32)  : i32 {
      %mul3A_15 = arith.constant 8 : i32
      %mul3A_16 = arith.muli %scan3A_13, %mul3A_15 : i32
      %add3A_17 = arith.addi %mul3A_4, %mul3A_16 : i32
      %get3A = arith.index_cast %add3A_17 : i32 to index
      %get3A_18 = tpu.vector_load %arg7[%get3A] {strides = array<i32>} : memref<9232xi32, #tpu.memory_space<vmem>>, vector<16xi32>,
      %get3A_19 = vector.shape_cast %get3A_18 : vector<16xi32> to vector<16xi32>
      %get3A_20 = arith.constant 0 : index
      %get3A_21 = tpu.vector_load %arg8[%get3A_20] {strides = array<i32>} : memref<240xi32, #tpu.memory_space<vmem>>, vector<16xi32>,
      %get3A_22 = vector.shape_cast %get3A_21 : vector<16xi32> to vector<16xi32>
      %broadcast_in_dim3A = vector.shape_cast %get3A_22 : vector<16xi32> to vector<16x1xi32>
      %gather3A = vector.shape_cast %broadcast_in_dim3A : vector<16x1xi32> to vector<16xi32>
      %gather3A_23 = tpu.dynamic_gather %get3A_19[%gather3A] in [0] : vector<16xi32>, vector<16xi32> -> vector<16xi32>
      %get3A_24 = arith.constant 0 : index
      %get3A_25 = tpu.vector_load %arg9[%get3A_24] {strides = array<i32>} : memref<240xi32, #tpu.memory_space<vmem>>, vector<16xi32>,
      %get3A_26 = vector.shape_cast %get3A_25 : vector<16xi32> to vector<16xi32>
      %add3A_27 = arith.addi %gather3A_23, %get3A_26 : vector<16xi32>
      %mul3A_28 = arith.constant 240 : i32
      %mul3A_29 = arith.muli %scan3A_13, %mul3A_28 : i32
      %add3A_30 = arith.constant 0 : i32
      %add3A_31 = arith.addi %mul3A_29, %add3A_30 : i32
      %swap3A = arith.index_cast %add3A_31 : i32 to index
      %swap3A_32 = tpu.vector_load %arg10[%swap3A] {strides = array<i32>} : memref<8640xi32, #tpu.memory_space<vmem>>, vector<16xi32>,
      %swap3A_33 = vector.shape_cast %swap3A_32 : vector<16xi32> to vector<16xi32>
      %swap3A_34 = vector.shape_cast %add3A_27 : vector<16xi32> to vector<16xi32>
      tpu.vector_store %arg10[%swap3A], %swap3A_34 {strides = array<i32>} : memref<8640xi32, #tpu.memory_space<vmem>>, vector<16xi32>,
      %get3A_35 = arith.constant 16 : index
      %get3A_36 = tpu.vector_load %arg8[%get3A_35] {strides = array<i32>} : memref<240xi32, #tpu.memory_space<vmem>>, vector<16xi32>,
      %get3A_37 = vector.shape_cast %get3A_36 : vector<16xi32> to vector<16xi32>
      %broadcast_in_dim3A_38 = vector.shape_cast %get3A_37 : vector<16xi32> to vector<16x1xi32>
      %gather3A_39 = vector.shape_cast %broadcast_in_dim3A_38 : vector<16x1xi32> to vector<16xi32>
      %gather3A_40 = tpu.dynamic_gather %get3A_19[%gather3A_39] in [0] : vector<16xi32>, vector<16xi32> -> vector<16xi32>
      %get3A_41 = arith.constant 16 : index
      %get3A_42 = tpu.vector_load %arg9[%get3A_41] {strides = array<i32>} : memref<240xi32, #tpu.memory_space<vmem>>, vector<16xi32>,
      %get3A_43 = vector.shape_cast %get3A_42 : vector<16xi32> to vector<16xi32>
      %add3A_44 = arith.addi %gather3A_40, %get3A_43 : vector<16xi32>
      %mul3A_45 = arith.constant 240 : i32
      %mul3A_46 = arith.muli %scan3A_13, %mul3A_45 : i32
      %add3A_47 = arith.constant 16 : i32
      %add3A_48 = arith.addi %mul3A_46, %add3A_47 : i32
      %swap3A_49 = arith.index_cast %add3A_48 : i32 to index
      %swap3A_50 = tpu.vector_load %arg10[%swap3A_49] {strides = array<i32>} : memref<8640xi32, #tpu.memory_space<vmem>>, vector<16xi32>,
      %swap3A_51 = vector.shape_cast %swap3A_50 : vector<16xi32> to vector<16xi32>
      %swap3A_52 = vector.shape_cast %add3A_44 : vector<16xi32> to vector<16xi32>
      tpu.vector_store %arg10[%swap3A_49], %swap3A_52 {strides = array<i32>} : memref<8640xi32, #tpu.memory_space<vmem>>, vector<16xi32>,
      %get3A_53 = arith.constant 32 : index
      %get3A_54 = tpu.vector_load %arg8[%get3A_53] {strides = array<i32>} : memref<240xi32, #tpu.memory_space<vmem>>, vector<16xi32>,
      %get3A_55 = vector.shape_cast %get3A_54 : vector<16xi32> to vector<16xi32>
      %broadcast_in_dim3A_56 = vector.shape_cast %get3A_55 : vector<16xi32> to vector<16x1xi32>
      %gather3A_57 = vector.shape_cast %broadcast_in_dim3A_56 : vector<16x1xi32> to vector<16xi32>
      %gather3A_58 = tpu.dynamic_gather %get3A_19[%gather3A_57] in [0] : vector<16xi32>, vector<16xi32> -> vector<16xi32>
      %get3A_59 = arith.constant 32 : index
      %get3A_60 = tpu.vector_load %arg9[%get3A_59] {strides = array<i32>} : memref<240xi32, #tpu.memory_space<vmem>>, vector<16xi32>,
      %get3A_61 = vector.shape_cast %get3A_60 : vector<16xi32> to vector<16xi32>
      %add3A_62 = arith.addi %gather3A_58, %get3A_61 : vector<16xi32>
      %mul3A_63 = arith.constant 240 : i32
      %mul3A_64 = arith.muli %scan3A_13, %mul3A_63 : i32
      %add3A_65 = arith.constant 32 : i32
      %add3A_66 = arith.addi %mul3A_64, %add3A_65 : i32
      %swap3A_67 = arith.index_cast %add3A_66 : i32 to index
      %swap3A_68 = tpu.vector_load %arg10[%swap3A_67] {strides = array<i32>} : memref<8640xi32, #tpu.memory_space<vmem>>, vector<16xi32>,
      %swap3A_69 = vector.shape_cast %swap3A_68 : vector<16xi32> to vector<16xi32>
      %swap3A_70 = vector.shape_cast %add3A_62 : vector<16xi32> to vector<16xi32>
      tpu.vector_store %arg10[%swap3A_67], %swap3A_70 {strides = array<i32>} : memref<8640xi32, #tpu.memory_space<vmem>>, vector<16xi32>,
      %get3A_71 = arith.constant 48 : index
      %get3A_72 = tpu.vector_load %arg8[%get3A_71] {strides = array<i32>} : memref<240xi32, #tpu.memory_space<vmem>>, vector<16xi32>,
      %get3A_73 = vector.shape_cast %get3A_72 : vector<16xi32> to vector<16xi32>
      %broadcast_in_dim3A_74 = vector.shape_cast %get3A_73 : vector<16xi32> to vector<16x1xi32>
      %gather3A_75 = vector.shape_cast %broadcast_in_dim3A_74 : vector<16x1xi32> to vector<16xi32>
      %gather3A_76 = tpu.dynamic_gather %get3A_19[%gather3A_75] in [0] : vector<16xi32>, vector<16xi32> -> vector<16xi32>
      %get3A_77 = arith.constant 48 : index
      %get3A_78 = tpu.vector_load %arg9[%get3A_77] {strides = array<i32>} : memref<240xi32, #tpu.memory_space<vmem>>, vector<16xi32>,
      %get3A_79 = vector.shape_cast %get3A_78 : vector<16xi32> to vector<16xi32>
      %add3A_80 = arith.addi %gather3A_76, %get3A_79 : vector<16xi32>
      %mul3A_81 = arith.constant 240 : i32
      %mul3A_82 = arith.muli %scan3A_13, %mul3A_81 : i32
      %add3A_83 = arith.constant 48 : i32
      %add3A_84 = arith.addi %mul3A_82, %add3A_83 : i32
      %swap3A_85 = arith.index_cast %add3A_84 : i32 to index
      %swap3A_86 = tpu.vector_load %arg10[%swap3A_85] {strides = array<i32>} : memref<8640xi32, #tpu.memory_space<vmem>>, vector<16xi32>,
      %swap3A_87 = vector.shape_cast %swap3A_86 : vector<16xi32> to vector<16xi32>
      %swap3A_88 = vector.shape_cast %add3A_80 : vector<16xi32> to vector<16xi32>
      tpu.vector_store %arg10[%swap3A_85], %swap3A_88 {strides = array<i32>} : memref<8640xi32, #tpu.memory_space<vmem>>, vector<16xi32>,
      %get3A_89 = arith.constant 64 : index
      %get3A_90 = tpu.vector_load %arg8[%get3A_89] {strides = array<i32>} : memref<240xi32, #tpu.memory_space<vmem>>, vector<16xi32>,
      %get3A_91 = vector.shape_cast %get3A_90 : vector<16xi32> to vector<16xi32>
      %broadcast_in_dim3A_92 = vector.shape_cast %get3A_91 : vector<16xi32> to vector<16x1xi32>
      %gather3A_93 = vector.shape_cast %broadcast_in_dim3A_92 : vector<16x1xi32> to vector<16xi32>
      %gather3A_94 = tpu.dynamic_gather %get3A_19[%gather3A_93] in [0] : vector<16xi32>, vector<16xi32> -> vector<16xi32>
      %get3A_95 = arith.constant 64 : index
      %get3A_96 = tpu.vector_load %arg9[%get3A_95] {strides = array<i32>} : memref<240xi32, #tpu.memory_space<vmem>>, vector<16xi32>,
      %get3A_97 = vector.shape_cast %get3A_96 : vector<16xi32> to vector<16xi32>
      %add3A_98 = arith.addi %gather3A_94, %get3A_97 : vector<16xi32>
      %mul3A_99 = arith.constant 240 : i32
      %mul3A_100 = arith.muli %scan3A_13, %mul3A_99 : i32
      %add3A_101 = arith.constant 64 : i32
      %add3A_102 = arith.addi %mul3A_100, %add3A_101 : i32
      %swap3A_103 = arith.index_cast %add3A_102 : i32 to index
      %swap3A_104 = tpu.vector_load %arg10[%swap3A_103] {strides = array<i32>} : memref<8640xi32, #tpu.memory_space<vmem>>, vector<16xi32>,
      %swap3A_105 = vector.shape_cast %swap3A_104 : vector<16xi32> to vector<16xi32>
      %swap3A_106 = vector.shape_cast %add3A_98 : vector<16xi32> to vector<16xi32>
      tpu.vector_store %arg10[%swap3A_103], %swap3A_106 {strides = array<i32>} : memref<8640xi32, #tpu.memory_space<vmem>>, vector<16xi32>,
      %get3A_107 = arith.constant 80 : index
      %get3A_108 = tpu.vector_load %arg8[%get3A_107] {strides = array<i32>} : memref<240xi32, #tpu.memory_space<vmem>>, vector<16xi32>,
      %get3A_109 = vector.shape_cast %get3A_108 : vector<16xi32> to vector<16xi32>
      %broadcast_in_dim3A_110 = vector.shape_cast %get3A_109 : vector<16xi32> to vector<16x1xi32>
      %gather3A_111 = vector.shape_cast %broadcast_in_dim3A_110 : vector<16x1xi32> to vector<16xi32>
      %gather3A_112 = tpu.dynamic_gather %get3A_19[%gather3A_111] in [0] : vector<16xi32>, vector<16xi32> -> vector<16xi32>
      %get3A_113 = arith.constant 80 : index
      %get3A_114 = tpu.vector_load %arg9[%get3A_113] {strides = array<i32>} : memref<240xi32, #tpu.memory_space<vmem>>, vector<16xi32>,
      %get3A_115 = vector.shape_cast %get3A_114 : vector<16xi32> to vector<16xi32>
      %add3A_116 = arith.addi %gather3A_112, %get3A_115 : vector<16xi32>
      %mul3A_117 = arith.constant 240 : i32
      %mul3A_118 = arith.muli %scan3A_13, %mul3A_117 : i32
      %add3A_119 = arith.constant 80 : i32
      %add3A_120 = arith.addi %mul3A_118, %add3A_119 : i32
      %swap3A_121 = arith.index_cast %add3A_120 : i32 to index
      %swap3A_122 = tpu.vector_load %arg10[%swap3A_121] {strides = array<i32>} : memref<8640xi32, #tpu.memory_space<vmem>>, vector<16xi32>,
      %swap3A_123 = vector.shape_cast %swap3A_122 : vector<16xi32> to vector<16xi32>
      %swap3A_124 = vector.shape_cast %add3A_116 : vector<16xi32> to vector<16xi32>
      tpu.vector_store %arg10[%swap3A_121], %swap3A_124 {strides = array<i32>} : memref<8640xi32, #tpu.memory_space<vmem>>, vector<16xi32>,
      %get3A_125 = arith.constant 96 : index
      %get3A_126 = tpu.vector_load %arg8[%get3A_125] {strides = array<i32>} : memref<240xi32, #tpu.memory_space<vmem>>, vector<16xi32>,
      %get3A_127 = vector.shape_cast %get3A_126 : vector<16xi32> to vector<16xi32>
      %broadcast_in_dim3A_128 = vector.shape_cast %get3A_127 : vector<16xi32> to vector<16x1xi32>
      %gather3A_129 = vector.shape_cast %broadcast_in_dim3A_128 : vector<16x1xi32> to vector<16xi32>
      %gather3A_130 = tpu.dynamic_gather %get3A_19[%gather3A_129] in [0] : vector<16xi32>, vector<16xi32> -> vector<16xi32>
      %get3A_131 = arith.constant 96 : index
      %get3A_132 = tpu.vector_load %arg9[%get3A_131] {strides = array<i32>} : memref<240xi32, #tpu.memory_space<vmem>>, vector<16xi32>,
      %get3A_133 = vector.shape_cast %get3A_132 : vector<16xi32> to vector<16xi32>
      %add3A_134 = arith.addi %gather3A_130, %get3A_133 : vector<16xi32>
      %mul3A_135 = arith.constant 240 : i32
      %mul3A_136 = arith.muli %scan3A_13, %mul3A_135 : i32
      %add3A_137 = arith.constant 96 : i32
      %add3A_138 = arith.addi %mul3A_136, %add3A_137 : i32
      %swap3A_139 = arith.index_cast %add3A_138 : i32 to index
      %swap3A_140 = tpu.vector_load %arg10[%swap3A_139] {strides = array<i32>} : memref<8640xi32, #tpu.memory_space<vmem>>, vector<16xi32>,
      %swap3A_141 = vector.shape_cast %swap3A_140 : vector<16xi32> to vector<16xi32>
      %swap3A_142 = vector.shape_cast %add3A_134 : vector<16xi32> to vector<16xi32>
      tpu.vector_store %arg10[%swap3A_139], %swap3A_142 {strides = array<i32>} : memref<8640xi32, #tpu.memory_space<vmem>>, vector<16xi32>,
      %get3A_143 = arith.constant 112 : index
      %get3A_144 = tpu.vector_load %arg8[%get3A_143] {strides = array<i32>} : memref<240xi32, #tpu.memory_space<vmem>>, vector<16xi32>,
      %get3A_145 = vector.shape_cast %get3A_144 : vector<16xi32> to vector<16xi32>
      %broadcast_in_dim3A_146 = vector.shape_cast %get3A_145 : vector<16xi32> to vector<16x1xi32>
      %gather3A_147 = vector.shape_cast %broadcast_in_dim3A_146 : vector<16x1xi32> to vector<16xi32>
      %gather3A_148 = tpu.dynamic_gather %get3A_19[%gather3A_147] in [0] : vector<16xi32>, vector<16xi32> -> vector<16xi32>
      %get3A_149 = arith.constant 112 : index
      %get3A_150 = tpu.vector_load %arg9[%get3A_149] {strides = array<i32>} : memref<240xi32, #tpu.memory_space<vmem>>, vector<16xi32>,
      %get3A_151 = vector.shape_cast %get3A_150 : vector<16xi32> to vector<16xi32>
      %add3A_152 = arith.addi %gather3A_148, %get3A_151 : vector<16xi32>
      %mul3A_153 = arith.constant 240 : i32
      %mul3A_154 = arith.muli %scan3A_13, %mul3A_153 : i32
      %add3A_155 = arith.constant 112 : i32
      %add3A_156 = arith.addi %mul3A_154, %add3A_155 : i32
      %swap3A_157 = arith.index_cast %add3A_156 : i32 to index
      %swap3A_158 = tpu.vector_load %arg10[%swap3A_157] {strides = array<i32>} : memref<8640xi32, #tpu.memory_space<vmem>>, vector<16xi32>,
      %swap3A_159 = vector.shape_cast %swap3A_158 : vector<16xi32> to vector<16xi32>
      %swap3A_160 = vector.shape_cast %add3A_152 : vector<16xi32> to vector<16xi32>
      tpu.vector_store %arg10[%swap3A_157], %swap3A_160 {strides = array<i32>} : memref<8640xi32, #tpu.memory_space<vmem>>, vector<16xi32>,
      %get3A_161 = arith.constant 128 : index
      %get3A_162 = tpu.vector_load %arg8[%get3A_161] {strides = array<i32>} : memref<240xi32, #tpu.memory_space<vmem>>, vector<16xi32>,
      %get3A_163 = vector.shape_cast %get3A_162 : vector<16xi32> to vector<16xi32>
      %broadcast_in_dim3A_164 = vector.shape_cast %get3A_163 : vector<16xi32> to vector<16x1xi32>
      %gather3A_165 = vector.shape_cast %broadcast_in_dim3A_164 : vector<16x1xi32> to vector<16xi32>
      %gather3A_166 = tpu.dynamic_gather %get3A_19[%gather3A_165] in [0] : vector<16xi32>, vector<16xi32> -> vector<16xi32>
      %get3A_167 = arith.constant 128 : index
      %get3A_168 = tpu.vector_load %arg9[%get3A_167] {strides = array<i32>} : memref<240xi32, #tpu.memory_space<vmem>>, vector<16xi32>,
      %get3A_169 = vector.shape_cast %get3A_168 : vector<16xi32> to vector<16xi32>
      %add3A_170 = arith.addi %gather3A_166, %get3A_169 : vector<16xi32>
      %mul3A_171 = arith.constant 240 : i32
      %mul3A_172 = arith.muli %scan3A_13, %mul3A_171 : i32
      %add3A_173 = arith.constant 128 : i32
      %add3A_174 = arith.addi %mul3A_172, %add3A_173 : i32
      %swap3A_175 = arith.index_cast %add3A_174 : i32 to index
      %swap3A_176 = tpu.vector_load %arg10[%swap3A_175] {strides = array<i32>} : memref<8640xi32, #tpu.memory_space<vmem>>, vector<16xi32>,
      %swap3A_177 = vector.shape_cast %swap3A_176 : vector<16xi32> to vector<16xi32>
      %swap3A_178 = vector.shape_cast %add3A_170 : vector<16xi32> to vector<16xi32>
      tpu.vector_store %arg10[%swap3A_175], %swap3A_178 {strides = array<i32>} : memref<8640xi32, #tpu.memory_space<vmem>>, vector<16xi32>,
      %get3A_179 = arith.constant 144 : index
      %get3A_180 = tpu.vector_load %arg8[%get3A_179] {strides = array<i32>} : memref<240xi32, #tpu.memory_space<vmem>>, vector<16xi32>,
      %get3A_181 = vector.shape_cast %get3A_180 : vector<16xi32> to vector<16xi32>
      %broadcast_in_dim3A_182 = vector.shape_cast %get3A_181 : vector<16xi32> to vector<16x1xi32>
      %gather3A_183 = vector.shape_cast %broadcast_in_dim3A_182 : vector<16x1xi32> to vector<16xi32>
      %gather3A_184 = tpu.dynamic_gather %get3A_19[%gather3A_183] in [0] : vector<16xi32>, vector<16xi32> -> vector<16xi32>
      %get3A_185 = arith.constant 144 : index
      %get3A_186 = tpu.vector_load %arg9[%get3A_185] {strides = array<i32>} : memref<240xi32, #tpu.memory_space<vmem>>, vector<16xi32>,
      %get3A_187 = vector.shape_cast %get3A_186 : vector<16xi32> to vector<16xi32>
      %add3A_188 = arith.addi %gather3A_184, %get3A_187 : vector<16xi32>
      %mul3A_189 = arith.constant 240 : i32
      %mul3A_190 = arith.muli %scan3A_13, %mul3A_189 : i32
      %add3A_191 = arith.constant 144 : i32
      %add3A_192 = arith.addi %mul3A_190, %add3A_191 : i32
      %swap3A_193 = arith.index_cast %add3A_192 : i32 to index
      %swap3A_194 = tpu.vector_load %arg10[%swap3A_193] {strides = array<i32>} : memref<8640xi32, #tpu.memory_space<vmem>>, vector<16xi32>,
      %swap3A_195 = vector.shape_cast %swap3A_194 : vector<16xi32> to vector<16xi32>
      %swap3A_196 = vector.shape_cast %add3A_188 : vector<16xi32> to vector<16xi32>
      tpu.vector_store %arg10[%swap3A_193], %swap3A_196 {strides = array<i32>} : memref<8640xi32, #tpu.memory_space<vmem>>, vector<16xi32>,
      %get3A_197 = arith.constant 160 : index
      %get3A_198 = tpu.vector_load %arg8[%get3A_197] {strides = array<i32>} : memref<240xi32, #tpu.memory_space<vmem>>, vector<16xi32>,
      %get3A_199 = vector.shape_cast %get3A_198 : vector<16xi32> to vector<16xi32>
      %broadcast_in_dim3A_200 = vector.shape_cast %get3A_199 : vector<16xi32> to vector<16x1xi32>
      %gather3A_201 = vector.shape_cast %broadcast_in_dim3A_200 : vector<16x1xi32> to vector<16xi32>
      %gather3A_202 = tpu.dynamic_gather %get3A_19[%gather3A_201] in [0] : vector<16xi32>, vector<16xi32> -> vector<16xi32>
      %get3A_203 = arith.constant 160 : index
      %get3A_204 = tpu.vector_load %arg9[%get3A_203] {strides = array<i32>} : memref<240xi32, #tpu.memory_space<vmem>>, vector<16xi32>,
      %get3A_205 = vector.shape_cast %get3A_204 : vector<16xi32> to vector<16xi32>
      %add3A_206 = arith.addi %gather3A_202, %get3A_205 : vector<16xi32>
      %mul3A_207 = arith.constant 240 : i32
      %mul3A_208 = arith.muli %scan3A_13, %mul3A_207 : i32
      %add3A_209 = arith.constant 160 : i32
      %add3A_210 = arith.addi %mul3A_208, %add3A_209 : i32
      %swap3A_211 = arith.index_cast %add3A_210 : i32 to index
      %swap3A_212 = tpu.vector_load %arg10[%swap3A_211] {strides = array<i32>} : memref<8640xi32, #tpu.memory_space<vmem>>, vector<16xi32>,
      %swap3A_213 = vector.shape_cast %swap3A_212 : vector<16xi32> to vector<16xi32>
      %swap3A_214 = vector.shape_cast %add3A_206 : vector<16xi32> to vector<16xi32>
      tpu.vector_store %arg10[%swap3A_211], %swap3A_214 {strides = array<i32>} : memref<8640xi32, #tpu.memory_space<vmem>>, vector<16xi32>,
      %get3A_215 = arith.constant 176 : index
      %get3A_216 = tpu.vector_load %arg8[%get3A_215] {strides = array<i32>} : memref<240xi32, #tpu.memory_space<vmem>>, vector<16xi32>,
      %get3A_217 = vector.shape_cast %get3A_216 : vector<16xi32> to vector<16xi32>
      %broadcast_in_dim3A_218 = vector.shape_cast %get3A_217 : vector<16xi32> to vector<16x1xi32>
      %gather3A_219 = vector.shape_cast %broadcast_in_dim3A_218 : vector<16x1xi32> to vector<16xi32>
      %gather3A_220 = tpu.dynamic_gather %get3A_19[%gather3A_219] in [0] : vector<16xi32>, vector<16xi32> -> vector<16xi32>
      %get3A_221 = arith.constant 176 : index
      %get3A_222 = tpu.vector_load %arg9[%get3A_221] {strides = array<i32>} : memref<240xi32, #tpu.memory_space<vmem>>, vector<16xi32>,
      %get3A_223 = vector.shape_cast %get3A_222 : vector<16xi32> to vector<16xi32>
      %add3A_224 = arith.addi %gather3A_220, %get3A_223 : vector<16xi32>
      %mul3A_225 = arith.constant 240 : i32
      %mul3A_226 = arith.muli %scan3A_13, %mul3A_225 : i32
      %add3A_227 = arith.constant 176 : i32
      %add3A_228 = arith.addi %mul3A_226, %add3A_227 : i32
      %swap3A_229 = arith.index_cast %add3A_228 : i32 to index
      %swap3A_230 = tpu.vector_load %arg10[%swap3A_229] {strides = array<i32>} : memref<8640xi32, #tpu.memory_space<vmem>>, vector<16xi32>,
      %swap3A_231 = vector.shape_cast %swap3A_230 : vector<16xi32> to vector<16xi32>
      %swap3A_232 = vector.shape_cast %add3A_224 : vector<16xi32> to vector<16xi32>
      tpu.vector_store %arg10[%swap3A_229], %swap3A_232 {strides = array<i32>} : memref<8640xi32, #tpu.memory_space<vmem>>, vector<16xi32>,
      %get3A_233 = arith.constant 192 : index
      %get3A_234 = tpu.vector_load %arg8[%get3A_233] {strides = array<i32>} : memref<240xi32, #tpu.memory_space<vmem>>, vector<16xi32>,
      %get3A_235 = vector.shape_cast %get3A_234 : vector<16xi32> to vector<16xi32>
      %broadcast_in_dim3A_236 = vector.shape_cast %get3A_235 : vector<16xi32> to vector<16x1xi32>
      %gather3A_237 = vector.shape_cast %broadcast_in_dim3A_236 : vector<16x1xi32> to vector<16xi32>
      %gather3A_238 = tpu.dynamic_gather %get3A_19[%gather3A_237] in [0] : vector<16xi32>, vector<16xi32> -> vector<16xi32>
      %get3A_239 = arith.constant 192 : index
      %get3A_240 = tpu.vector_load %arg9[%get3A_239] {strides = array<i32>} : memref<240xi32, #tpu.memory_space<vmem>>, vector<16xi32>,
      %get3A_241 = vector.shape_cast %get3A_240 : vector<16xi32> to vector<16xi32>
      %add3A_242 = arith.addi %gather3A_238, %get3A_241 : vector<16xi32>
      %mul3A_243 = arith.constant 240 : i32
      %mul3A_244 = arith.muli %scan3A_13, %mul3A_243 : i32
      %add3A_245 = arith.constant 192 : i32
      %add3A_246 = arith.addi %mul3A_244, %add3A_245 : i32
      %swap3A_247 = arith.index_cast %add3A_246 : i32 to index
      %swap3A_248 = tpu.vector_load %arg10[%swap3A_247] {strides = array<i32>} : memref<8640xi32, #tpu.memory_space<vmem>>, vector<16xi32>,
      %swap3A_249 = vector.shape_cast %swap3A_248 : vector<16xi32> to vector<16xi32>
      %swap3A_250 = vector.shape_cast %add3A_242 : vector<16xi32> to vector<16xi32>
      tpu.vector_store %arg10[%swap3A_247], %swap3A_250 {strides = array<i32>} : memref<8640xi32, #tpu.memory_space<vmem>>, vector<16xi32>,
      %get3A_251 = arith.constant 208 : index
      %get3A_252 = tpu.vector_load %arg8[%get3A_251] {strides = array<i32>} : memref<240xi32, #tpu.memory_space<vmem>>, vector<16xi32>,
      %get3A_253 = vector.shape_cast %get3A_252 : vector<16xi32> to vector<16xi32>
      %broadcast_in_dim3A_254 = vector.shape_cast %get3A_253 : vector<16xi32> to vector<16x1xi32>
      %gather3A_255 = vector.shape_cast %broadcast_in_dim3A_254 : vector<16x1xi32> to vector<16xi32>
      %gather3A_256 = tpu.dynamic_gather %get3A_19[%gather3A_255] in [0] : vector<16xi32>, vector<16xi32> -> vector<16xi32>
      %get3A_257 = arith.constant 208 : index
      %get3A_258 = tpu.vector_load %arg9[%get3A_257] {strides = array<i32>} : memref<240xi32, #tpu.memory_space<vmem>>, vector<16xi32>,
      %get3A_259 = vector.shape_cast %get3A_258 : vector<16xi32> to vector<16xi32>
      %add3A_260 = arith.addi %gather3A_256, %get3A_259 : vector<16xi32>
      %mul3A_261 = arith.constant 240 : i32
      %mul3A_262 = arith.muli %scan3A_13, %mul3A_261 : i32
      %add3A_263 = arith.constant 208 : i32
      %add3A_264 = arith.addi %mul3A_262, %add3A_263 : i32
      %swap3A_265 = arith.index_cast %add3A_264 : i32 to index
      %swap3A_266 = tpu.vector_load %arg10[%swap3A_265] {strides = array<i32>} : memref<8640xi32, #tpu.memory_space<vmem>>, vector<16xi32>,
      %swap3A_267 = vector.shape_cast %swap3A_266 : vector<16xi32> to vector<16xi32>
      %swap3A_268 = vector.shape_cast %add3A_260 : vector<16xi32> to vector<16xi32>
      tpu.vector_store %arg10[%swap3A_265], %swap3A_268 {strides = array<i32>} : memref<8640xi32, #tpu.memory_space<vmem>>, vector<16xi32>,
      %get3A_269 = arith.constant 224 : index
      %get3A_270 = tpu.vector_load %arg8[%get3A_269] {strides = array<i32>} : memref<240xi32, #tpu.memory_space<vmem>>, vector<16xi32>,
      %get3A_271 = vector.shape_cast %get3A_270 : vector<16xi32> to vector<16xi32>
      %broadcast_in_dim3A_272 = vector.shape_cast %get3A_271 : vector<16xi32> to vector<16x1xi32>
      %gather3A_273 = vector.shape_cast %broadcast_in_dim3A_272 : vector<16x1xi32> to vector<16xi32>
      %gather3A_274 = tpu.dynamic_gather %get3A_19[%gather3A_273] in [0] : vector<16xi32>, vector<16xi32> -> vector<16xi32>
      %get3A_275 = arith.constant 224 : index
      %get3A_276 = tpu.vector_load %arg9[%get3A_275] {strides = array<i32>} : memref<240xi32, #tpu.memory_space<vmem>>, vector<16xi32>,
      %get3A_277 = vector.shape_cast %get3A_276 : vector<16xi32> to vector<16xi32>
      %add3A_278 = arith.addi %gather3A_274, %get3A_277 : vector<16xi32>
      %mul3A_279 = arith.constant 240 : i32
      %mul3A_280 = arith.muli %scan3A_13, %mul3A_279 : i32
      %add3A_281 = arith.constant 224 : i32
      %add3A_282 = arith.addi %mul3A_280, %add3A_281 : i32
      %swap3A_283 = arith.index_cast %add3A_282 : i32 to index
      %swap3A_284 = tpu.vector_load %arg10[%swap3A_283] {strides = array<i32>} : memref<8640xi32, #tpu.memory_space<vmem>>, vector<16xi32>,
      %swap3A_285 = vector.shape_cast %swap3A_284 : vector<16xi32> to vector<16xi32>
      %swap3A_286 = vector.shape_cast %add3A_278 : vector<16xi32> to vector<16xi32>
      tpu.vector_store %arg10[%swap3A_283], %swap3A_286 {strides = array<i32>} : memref<8640xi32, #tpu.memory_space<vmem>>, vector<16xi32>,
      %scan3A_287 = arith.constant 0 : i32
      scf.yield %scan3A_287 : i32
    }
    %scan3A_10 = arith.constant 36 : i32
    %dma_start3A = arith.constant 0 : i32
    %dma_start3A_11 = tpu.memref_slice %arg2[%dma_start3A] : memref<15728640xf32, #tpu.memory_space<hbm>> -> memref<15728640xf32, #tpu.memory_space<hbm>>
    tpu.enqueue_indirect_dma source(%dma_start3A_11 : memref<15728640xf32, #tpu.memory_space<hbm>>) target(%arg11 : memref<8640xf32, #tpu.memory_space<vmem>>) offsets(%arg10 : memref<8640xi32, #tpu.memory_space<vmem>>) semaphore(%arg12 : memref<!tpu.dma_semaphore, #tpu.memory_space<semaphore_mem>>)
    %dma_wait3A = arith.constant 0 : i32
    %dma_wait3A_12 = tpu.memref_slice %arg2[%dma_wait3A] : memref<15728640xf32, #tpu.memory_space<hbm>> -> memref<15728640xf32, #tpu.memory_space<hbm>>
    tpu.wait_indirect_dma semaphore(%arg12 : memref<!tpu.dma_semaphore, #tpu.memory_space<semaphore_mem>>) src(%dma_wait3A_12 : memref<15728640xf32, #tpu.memory_space<hbm>>) dst(%arg11 : memref<8640xf32, #tpu.memory_space<vmem>>)
    "tpu.region"() ({
      %run_scoped3A = tpu.sem_alloc : memref<!tpu.dma_semaphore, #tpu.memory_space<semaphore_mem>>
      %dma_start3A_13 = tpu.memref_slice %arg6[%mul3A_2] : memref<276480xf32, #tpu.memory_space<hbm>> -> memref<8640xf32, #tpu.memory_space<hbm>>
      %dma_start3A_14 = tpu.memref_slice %arg6[%mul3A_2] : memref<276480xf32, #tpu.memory_space<hbm>> -> memref<8640xf32, #tpu.memory_space<hbm>>
      tpu.enqueue_dma source(%arg11 : memref<8640xf32, #tpu.memory_space<vmem>>) target(%dma_start3A_14 : memref<8640xf32, #tpu.memory_space<hbm>>) target_semaphore(%run_scoped3A : memref<!tpu.dma_semaphore, #tpu.memory_space<semaphore_mem>>)
      %dma_wait3A_15 = tpu.memref_slice %arg6[%mul3A_2] : memref<276480xf32, #tpu.memory_space<hbm>> -> memref<8640xf32, #tpu.memory_space<hbm>>
      %dma_wait3A_16 = tpu.memref_slice %arg6[%mul3A_2] : memref<276480xf32, #tpu.memory_space<hbm>> -> memref<8640xf32, #tpu.memory_space<hbm>>
      tpu.wait_dma2 semaphore(%run_scoped3A : memref<!tpu.dma_semaphore, #tpu.memory_space<semaphore_mem>>) src(%arg11 : memref<8640xf32, #tpu.memory_space<vmem>>) dst(%dma_wait3A_16 : memref<8640xf32, #tpu.memory_space<hbm>>)
      tpu.yield
    }) : () -> ()
    return
  }
}

module attributes {stable_mosaic.version = 14 : i64} {
  func.func @_tc_body(%arg0: i32, %arg1: i32, %arg2: memref<5760x6xf32, #tpu.memory_space<vmem>>, %arg3: memref<1x512x256xf32, #tpu.memory_space<vmem>>, %arg4: memref<1x512x2xf32, #tpu.memory_space<vmem>>, %arg5: memref<8x256xf32, #tpu.memory_space<vmem>>, %arg6: memref<256x256xf32, #tpu.memory_space<vmem>>, %arg7: memref<2x256xf32, #tpu.memory_space<vmem>>, %arg8: memref<256x256xf32, #tpu.memory_space<vmem>>, %arg9: memref<256x1xf32, #tpu.memory_space<vmem>>, %arg10: memref<1x1xf32, #tpu.memory_space<vmem>>, %arg11: memref<1x1x1x128xf32, #tpu.memory_space<vmem>>, %arg12: memref<8x512xf32, #tpu.memory_space<vmem>>, %arg13: memref<1x512xf32, #tpu.memory_space<vmem>>) attributes {dimension_semantics = [#tpu.dimension_semantics<arbitrary>, #tpu.dimension_semantics<arbitrary>], iteration_bounds = array<i64: 2, 4>, scalar_prefetch = 0 : i64, scratch_operands = 2 : i64, tpu.core_type = #tpu.core_type<tc>, window_params = [{transform_indices = @transform_0, window_bounds = array<i64: 5760, 6>}, {transform_indices = @transform_1, window_bounds = array<i64: 1, 512, 256>}, {transform_indices = @transform_2, window_bounds = array<i64: 1, 512, 2>}, {pipeline_mode = #tpu.pipeline_mode<synchronous>, transform_indices = @transform_3, window_bounds = array<i64: 8, 256>}, {pipeline_mode = #tpu.pipeline_mode<synchronous>, transform_indices = @transform_4, window_bounds = array<i64: 256, 256>}, {pipeline_mode = #tpu.pipeline_mode<synchronous>, transform_indices = @transform_5, window_bounds = array<i64: 2, 256>}, {pipeline_mode = #tpu.pipeline_mode<synchronous>, transform_indices = @transform_6, window_bounds = array<i64: 256, 256>}, {pipeline_mode = #tpu.pipeline_mode<synchronous>, transform_indices = @transform_7, window_bounds = array<i64: 256, 1>}, {pipeline_mode = #tpu.pipeline_mode<synchronous>, transform_indices = @transform_8, window_bounds = array<i64: 1, 1>}, {transform_indices = @transform_9, window_bounds = array<i64: 1, 1, 1, 128>}]} {
    %eq3A = arith.constant 0 : i32
    %eq3A_0 = arith.cmpi eq, %arg1, %eq3A : i32
    %convert_element_type3A = arith.extui %eq3A_0 : i1 to i32
    %cond3A = arith.constant 0 : i32
    %cond3A_1 = arith.cmpi ne, %convert_element_type3A, %cond3A : i32
    scf.if %cond3A_1 {
      %get3A_261 = arith.constant 0 : index
      %get3A_262 = arith.constant 0 : index
      %get3A_263 = arith.constant 0 : index
      %get3A_264 = vector.load %arg3[%get3A_261, %get3A_262, %get3A_263] : memref<1x512x256xf32, #tpu.memory_space<vmem>>, vector<1x512x256xf32>
      %get3A_265 = vector.shape_cast %get3A_264 : vector<1x512x256xf32> to vector<512x256xf32>
      %get3A_266 = arith.constant 0 : index
      %get3A_267 = arith.constant 0 : index
      %get3A_268 = vector.load %arg6[%get3A_266, %get3A_267] : memref<256x256xf32, #tpu.memory_space<vmem>>, vector<256x256xf32>
      %dot_general3A_269 = arith.constant dense<0.000000e+00> : vector<512x256xf32>
      %dot_general3A_270 = tpu.matmul %get3A_265, %get3A_268, %dot_general3A_269 {dimension_numbers = #tpu.dot_dimension_numbers<[1], [0], [0], [1], [0, 0, 1, 1], [], []>, transpose_lhs_hint = false} : vector<512x256xf32>, vector<256x256xf32>, vector<512x256xf32> -> vector<512x256xf32>
      %get3A_271 = arith.constant 0 : index
      %get3A_272 = arith.constant 0 : index
      %get3A_273 = arith.constant 0 : index
      %get3A_274 = vector.load %arg4[%get3A_271, %get3A_272, %get3A_273] : memref<1x512x2xf32, #tpu.memory_space<vmem>>, vector<1x512x2xf32>
      %get3A_275 = vector.shape_cast %get3A_274 : vector<1x512x2xf32> to vector<512x2xf32>
      %get3A_276 = arith.constant 0 : index
      %get3A_277 = arith.constant 0 : index
      %get3A_278 = vector.load %arg7[%get3A_276, %get3A_277] : memref<2x256xf32, #tpu.memory_space<vmem>>, vector<2x256xf32>
      %dot_general3A_279 = arith.constant dense<0.000000e+00> : vector<512x256xf32>
      %dot_general3A_280 = tpu.matmul %get3A_275, %get3A_278, %dot_general3A_279 {dimension_numbers = #tpu.dot_dimension_numbers<[1], [0], [0], [1], [0, 0, 1, 1], [], []>, transpose_lhs_hint = false} : vector<512x2xf32>, vector<2x256xf32>, vector<512x256xf32> -> vector<512x256xf32>
      %add3A_281 = arith.addf %dot_general3A_270, %dot_general3A_280 : vector<512x256xf32>
      %get3A_282 = arith.constant 0 : index
      %get3A_283 = arith.constant 0 : index
      %get3A_284 = vector.load %arg5[%get3A_282, %get3A_283] : memref<8x256xf32, #tpu.memory_space<vmem>>, vector<8x256xf32>
      %dot_general3A_285 = arith.constant dense<0.000000e+00> : vector<8x512xf32>
      %dot_general3A_286 = tpu.matmul %get3A_284, %add3A_281, %dot_general3A_285 {dimension_numbers = #tpu.dot_dimension_numbers<[1], [1], [0], [0], [0, 0, 1, 0], [], []>, transpose_lhs_hint = false} : vector<8x256xf32>, vector<512x256xf32>, vector<8x512xf32> -> vector<8x512xf32>
      %mul3A_287 = arith.constant 6.250000e-02 : f32
      %mul3A_288 = vector.broadcast %mul3A_287 : f32 to vector<8x512xf32>
      %mul3A_289 = arith.mulf %dot_general3A_286, %mul3A_288 : vector<8x512xf32>
      %swap3A_290 = arith.constant 0 : index
      %swap3A_291 = arith.constant 0 : index
      %swap3A_292 = vector.load %arg12[%swap3A_290, %swap3A_291] : memref<8x512xf32, #tpu.memory_space<vmem>>, vector<8x512xf32>
      tpu.vector_store %arg12[%swap3A_290, %swap3A_291], %mul3A_289 {strides = array<i32>} : memref<8x512xf32, #tpu.memory_space<vmem>>, vector<8x512xf32>,
      %get3A_293 = arith.constant 0 : index
      %get3A_294 = arith.constant 0 : index
      %get3A_295 = vector.load %arg8[%get3A_293, %get3A_294] : memref<256x256xf32, #tpu.memory_space<vmem>>, vector<256x256xf32>
      %get3A_296 = arith.constant 0 : index
      %get3A_297 = arith.constant 0 : index
      %get3A_298 = vector.load %arg9[%get3A_296, %get3A_297] : memref<256x1xf32, #tpu.memory_space<vmem>>, vector<256x1xf32>
      %dot_general3A_299 = arith.constant dense<0.000000e+00> : vector<256x1xf32>
      %dot_general3A_300 = tpu.matmul %get3A_295, %get3A_298, %dot_general3A_299 {dimension_numbers = #tpu.dot_dimension_numbers<[1], [0], [0], [1], [0, 0, 1, 1], [], []>, transpose_lhs_hint = false} : vector<256x256xf32>, vector<256x1xf32>, vector<256x1xf32> -> vector<256x1xf32>
      %dot_general3A_301 = arith.constant dense<0.000000e+00> : vector<1x512xf32>
      %dot_general3A_302 = tpu.matmul %dot_general3A_300, %get3A_265, %dot_general3A_301 {dimension_numbers = #tpu.dot_dimension_numbers<[0], [1], [1], [0], [0, 1, 1, 0], [], []>, transpose_lhs_hint = false} : vector<256x1xf32>, vector<512x256xf32>, vector<1x512xf32> -> vector<1x512xf32>
      %swap3A_303 = arith.constant 0 : index
      %swap3A_304 = arith.constant 0 : index
      %swap3A_305 = vector.load %arg13[%swap3A_303, %swap3A_304] : memref<1x512xf32, #tpu.memory_space<vmem>>, vector<1x512xf32>
      tpu.vector_store %arg13[%swap3A_303, %swap3A_304], %dot_general3A_302 {strides = array<i32>} : memref<1x512xf32, #tpu.memory_space<vmem>>, vector<1x512xf32>,
    } else {
    }
    %get3A = arith.constant 0 : index
    %get3A_2 = arith.constant 0 : index
    %get3A_3 = vector.load %arg12[%get3A, %get3A_2] : memref<8x512xf32, #tpu.memory_space<vmem>>, vector<8x512xf32>
    %get3A_4 = arith.constant 0 : index
    %get3A_5 = arith.constant 0 : index
    %get3A_6 = vector.load %arg13[%get3A_4, %get3A_5] : memref<1x512xf32, #tpu.memory_space<vmem>>, vector<1x512xf32>
    %get3A_7 = arith.constant 0 : index
    %get3A_8 = arith.constant 0 : index
    %get3A_9 = vector.load %arg10[%get3A_7, %get3A_8] : memref<1x1xf32, #tpu.memory_space<vmem>>, vector<1x1xf32>
    %get3A_10 = vector.extract %get3A_9[0, 0] : f32 from vector<1x1xf32>
    %get3A_11 = arith.constant 0 : index
    %get3A_12 = arith.constant 0 : index
    %get3A_13 = vector.load %arg2[%get3A_11, %get3A_12] : memref<5760x6xf32, #tpu.memory_space<vmem>>, vector<1440x6xf32>
    %broadcast_in_dim3A = arith.constant 0.000000e+00 : f32
    %broadcast_in_dim3A_14 = vector.broadcast %broadcast_in_dim3A : f32 to vector<1440x2xf32>
    %concatenate3A = tpu.concatenate %get3A_13, %broadcast_in_dim3A_14 in 1 : vector<1440x6xf32>, vector<1440x2xf32> -> vector<1440x8xf32>
    %dot_general3A = arith.constant dense<0.000000e+00> : vector<1440x512xf32>
    %dot_general3A_15 = tpu.matmul %concatenate3A, %get3A_3, %dot_general3A {dimension_numbers = #tpu.dot_dimension_numbers<[1], [0], [0], [1], [0, 0, 1, 1], [], []>, transpose_lhs_hint = false} : vector<1440x8xf32>, vector<8x512xf32>, vector<1440x512xf32> -> vector<1440x512xf32>
    %reduce_max3A = arith.constant dense<0xFF800000> : vector<1440xf32>
    %reduce_max3A_16 = vector.multi_reduction <maximumf>, %dot_general3A_15, %reduce_max3A [1] : vector<1440x512xf32> to vector<1440xf32>
    %broadcast_in_dim3A_17 = vector.shape_cast %reduce_max3A_16 : vector<1440xf32> to vector<1440x1xf32>
    %sub3A = vector.broadcast %broadcast_in_dim3A_17 : vector<1440x1xf32> to vector<1440x512xf32>
    %sub3A_18 = arith.subf %dot_general3A_15, %sub3A : vector<1440x512xf32>
    %exp3A = math.exp %sub3A_18 : vector<1440x512xf32>
    %reduce_sum3A = arith.constant dense<0.000000e+00> : vector<1440xf32>
    %reduce_sum3A_19 = vector.multi_reduction <add>, %exp3A, %reduce_sum3A [1] : vector<1440x512xf32> to vector<1440xf32>
    %broadcast_in_dim3A_20 = vector.shape_cast %reduce_sum3A_19 : vector<1440xf32> to vector<1440x1xf32>
    %dot_general3A_21 = arith.constant dense<0.000000e+00> : vector<1440x1xf32>
    %dot_general3A_22 = tpu.matmul %exp3A, %get3A_6, %dot_general3A_21 {dimension_numbers = #tpu.dot_dimension_numbers<[1], [1], [0], [0], [0, 0, 1, 0], [], []>, transpose_lhs_hint = false} : vector<1440x512xf32>, vector<1x512xf32>, vector<1440x1xf32> -> vector<1440x1xf32>
    %div3A = arith.divf %dot_general3A_22, %broadcast_in_dim3A_20 : vector<1440x1xf32>
    %add3A = vector.broadcast %get3A_10 : f32 to vector<1440x1xf32>
    %add3A_23 = arith.addf %div3A, %add3A : vector<1440x1xf32>
    %slice3A = vector.extract_strided_slice %get3A_13 {offsets = [0, 0], sizes = [1440, 1], strides = [1, 1]} : vector<1440x6xf32> to vector<1440x1xf32>
    %sub3A_24 = arith.subf %add3A_23, %slice3A : vector<1440x1xf32>
    %integer_pow3A = arith.mulf %sub3A_24, %sub3A_24 : vector<1440x1xf32>
    %iota3A = tpu.iota {dimensions = array<i32: 0>} : vector<1440x32xi32>
    %jit3A = arith.constant 45 : i32
    %div3A_25 = vector.broadcast %jit3A : i32 to vector<1440x32xi32>
    %div3A_26 = arith.divsi %iota3A, %div3A_25 : vector<1440x32xi32>
    %sign3A = arith.constant 0 : i32
    %sign3A_27 = vector.broadcast %sign3A : i32 to vector<1440x32xi32>
    %sign3A_28 = arith.cmpi sgt, %iota3A, %sign3A_27 : vector<1440x32xi32>
    %sign3A_29 = arith.extui %sign3A_28 : vector<1440x32xi1> to vector<1440x32xi32>
    %sign3A_30 = arith.constant 0 : i32
    %sign3A_31 = vector.broadcast %sign3A_30 : i32 to vector<1440x32xi32>
    %sign3A_32 = arith.cmpi slt, %iota3A, %sign3A_31 : vector<1440x32xi32>
    %sign3A_33 = arith.extui %sign3A_32 : vector<1440x32xi1> to vector<1440x32xi32>
    %sign3A_34 = arith.subi %sign3A_29, %sign3A_33 : vector<1440x32xi32>
    %sign3A_35 = arith.constant 0 : i32
    %sign3A_36 = arith.cmpi sgt, %jit3A, %sign3A_35 : i32
    %sign3A_37 = arith.extui %sign3A_36 : i1 to i32
    %sign3A_38 = arith.constant 0 : i32
    %sign3A_39 = arith.cmpi slt, %jit3A, %sign3A_38 : i32
    %sign3A_40 = arith.extui %sign3A_39 : i1 to i32
    %sign3A_41 = arith.subi %sign3A_37, %sign3A_40 : i32
    %ne3A = vector.broadcast %sign3A_41 : i32 to vector<1440x32xi32>
    %ne3A_42 = arith.cmpi ne, %sign3A_34, %ne3A : vector<1440x32xi32>
    %rem3A = vector.broadcast %jit3A : i32 to vector<1440x32xi32>
    %rem3A_43 = arith.remsi %iota3A, %rem3A : vector<1440x32xi32>
    %ne3A_44 = arith.constant 0 : i32
    %ne3A_45 = vector.broadcast %ne3A_44 : i32 to vector<1440x32xi32>
    %ne3A_46 = arith.cmpi ne, %rem3A_43, %ne3A_45 : vector<1440x32xi32>
    %and3A = arith.andi %ne3A_42, %ne3A_46 : vector<1440x32xi1>
    %sub3A_47 = arith.constant 1 : i32
    %sub3A_48 = vector.broadcast %sub3A_47 : i32 to vector<1440x32xi32>
    %sub3A_49 = arith.subi %div3A_26, %sub3A_48 : vector<1440x32xi32>
    %select_n3A = arith.select %and3A, %sub3A_49, %div3A_26 : vector<1440x32xi1>, vector<1440x32xi32>
    %iota3A_50 = tpu.iota {dimensions = array<i32: 1>} : vector<1440x32xi32>
    %eq3A_51 = arith.cmpi eq, %select_n3A, %iota3A_50 : vector<1440x32xi32>
    %convert_element_type3A_52 = arith.extui %eq3A_51 : vector<1440x32xi1> to vector<1440x32xi32>
    %convert_element_type3A_53 = arith.sitofp %convert_element_type3A_52 : vector<1440x32xi32> to vector<1440x32xf32>
    %dot_general3A_54 = arith.constant dense<0.000000e+00> : vector<1x32xf32>
    %dot_general3A_55 = tpu.matmul %integer_pow3A, %convert_element_type3A_53, %dot_general3A_54 {dimension_numbers = #tpu.dot_dimension_numbers<[0], [0], [1], [1], [0, 1, 1, 1], [], []>, transpose_lhs_hint = false} : vector<1440x1xf32>, vector<1440x32xf32>, vector<1x32xf32> -> vector<1x32xf32>
    %mul3A = arith.constant 0.0222222228 : f32
    %mul3A_56 = vector.broadcast %mul3A : f32 to vector<1x32xf32>
    %mul3A_57 = arith.mulf %dot_general3A_55, %mul3A_56 : vector<1x32xf32>
    %get3A_58 = arith.constant 1440 : index
    %get3A_59 = arith.constant 0 : index
    %get3A_60 = vector.load %arg2[%get3A_58, %get3A_59] : memref<5760x6xf32, #tpu.memory_space<vmem>>, vector<1440x6xf32>
    %broadcast_in_dim3A_61 = arith.constant 0.000000e+00 : f32
    %broadcast_in_dim3A_62 = vector.broadcast %broadcast_in_dim3A_61 : f32 to vector<1440x2xf32>
    %concatenate3A_63 = tpu.concatenate %get3A_60, %broadcast_in_dim3A_62 in 1 : vector<1440x6xf32>, vector<1440x2xf32> -> vector<1440x8xf32>
    %dot_general3A_64 = arith.constant dense<0.000000e+00> : vector<1440x512xf32>
    %dot_general3A_65 = tpu.matmul %concatenate3A_63, %get3A_3, %dot_general3A_64 {dimension_numbers = #tpu.dot_dimension_numbers<[1], [0], [0], [1], [0, 0, 1, 1], [], []>, transpose_lhs_hint = false} : vector<1440x8xf32>, vector<8x512xf32>, vector<1440x512xf32> -> vector<1440x512xf32>
    %reduce_max3A_66 = arith.constant dense<0xFF800000> : vector<1440xf32>
    %reduce_max3A_67 = vector.multi_reduction <maximumf>, %dot_general3A_65, %reduce_max3A_66 [1] : vector<1440x512xf32> to vector<1440xf32>
    %broadcast_in_dim3A_68 = vector.shape_cast %reduce_max3A_67 : vector<1440xf32> to vector<1440x1xf32>
    %sub3A_69 = vector.broadcast %broadcast_in_dim3A_68 : vector<1440x1xf32> to vector<1440x512xf32>
    %sub3A_70 = arith.subf %dot_general3A_65, %sub3A_69 : vector<1440x512xf32>
    %exp3A_71 = math.exp %sub3A_70 : vector<1440x512xf32>
    %reduce_sum3A_72 = arith.constant dense<0.000000e+00> : vector<1440xf32>
    %reduce_sum3A_73 = vector.multi_reduction <add>, %exp3A_71, %reduce_sum3A_72 [1] : vector<1440x512xf32> to vector<1440xf32>
    %broadcast_in_dim3A_74 = vector.shape_cast %reduce_sum3A_73 : vector<1440xf32> to vector<1440x1xf32>
    %dot_general3A_75 = arith.constant dense<0.000000e+00> : vector<1440x1xf32>
    %dot_general3A_76 = tpu.matmul %exp3A_71, %get3A_6, %dot_general3A_75 {dimension_numbers = #tpu.dot_dimension_numbers<[1], [1], [0], [0], [0, 0, 1, 0], [], []>, transpose_lhs_hint = false} : vector<1440x512xf32>, vector<1x512xf32>, vector<1440x1xf32> -> vector<1440x1xf32>
    %div3A_77 = arith.divf %dot_general3A_76, %broadcast_in_dim3A_74 : vector<1440x1xf32>
    %add3A_78 = vector.broadcast %get3A_10 : f32 to vector<1440x1xf32>
    %add3A_79 = arith.addf %div3A_77, %add3A_78 : vector<1440x1xf32>
    %slice3A_80 = vector.extract_strided_slice %get3A_60 {offsets = [0, 0], sizes = [1440, 1], strides = [1, 1]} : vector<1440x6xf32> to vector<1440x1xf32>
    %sub3A_81 = arith.subf %add3A_79, %slice3A_80 : vector<1440x1xf32>
    %integer_pow3A_82 = arith.mulf %sub3A_81, %sub3A_81 : vector<1440x1xf32>
    %iota3A_83 = tpu.iota {dimensions = array<i32: 0>} : vector<1440x32xi32>
    %jit3A_84 = arith.constant 45 : i32
    %div3A_85 = vector.broadcast %jit3A_84 : i32 to vector<1440x32xi32>
    %div3A_86 = arith.divsi %iota3A_83, %div3A_85 : vector<1440x32xi32>
    %sign3A_87 = arith.constant 0 : i32
    %sign3A_88 = vector.broadcast %sign3A_87 : i32 to vector<1440x32xi32>
    %sign3A_89 = arith.cmpi sgt, %iota3A_83, %sign3A_88 : vector<1440x32xi32>
    %sign3A_90 = arith.extui %sign3A_89 : vector<1440x32xi1> to vector<1440x32xi32>
    %sign3A_91 = arith.constant 0 : i32
    %sign3A_92 = vector.broadcast %sign3A_91 : i32 to vector<1440x32xi32>
    %sign3A_93 = arith.cmpi slt, %iota3A_83, %sign3A_92 : vector<1440x32xi32>
    %sign3A_94 = arith.extui %sign3A_93 : vector<1440x32xi1> to vector<1440x32xi32>
    %sign3A_95 = arith.subi %sign3A_90, %sign3A_94 : vector<1440x32xi32>
    %sign3A_96 = arith.constant 0 : i32
    %sign3A_97 = arith.cmpi sgt, %jit3A_84, %sign3A_96 : i32
    %sign3A_98 = arith.extui %sign3A_97 : i1 to i32
    %sign3A_99 = arith.constant 0 : i32
    %sign3A_100 = arith.cmpi slt, %jit3A_84, %sign3A_99 : i32
    %sign3A_101 = arith.extui %sign3A_100 : i1 to i32
    %sign3A_102 = arith.subi %sign3A_98, %sign3A_101 : i32
    %ne3A_103 = vector.broadcast %sign3A_102 : i32 to vector<1440x32xi32>
    %ne3A_104 = arith.cmpi ne, %sign3A_95, %ne3A_103 : vector<1440x32xi32>
    %rem3A_105 = vector.broadcast %jit3A_84 : i32 to vector<1440x32xi32>
    %rem3A_106 = arith.remsi %iota3A_83, %rem3A_105 : vector<1440x32xi32>
    %ne3A_107 = arith.constant 0 : i32
    %ne3A_108 = vector.broadcast %ne3A_107 : i32 to vector<1440x32xi32>
    %ne3A_109 = arith.cmpi ne, %rem3A_106, %ne3A_108 : vector<1440x32xi32>
    %and3A_110 = arith.andi %ne3A_104, %ne3A_109 : vector<1440x32xi1>
    %sub3A_111 = arith.constant 1 : i32
    %sub3A_112 = vector.broadcast %sub3A_111 : i32 to vector<1440x32xi32>
    %sub3A_113 = arith.subi %div3A_86, %sub3A_112 : vector<1440x32xi32>
    %select_n3A_114 = arith.select %and3A_110, %sub3A_113, %div3A_86 : vector<1440x32xi1>, vector<1440x32xi32>
    %iota3A_115 = tpu.iota {dimensions = array<i32: 1>} : vector<1440x32xi32>
    %eq3A_116 = arith.cmpi eq, %select_n3A_114, %iota3A_115 : vector<1440x32xi32>
    %convert_element_type3A_117 = arith.extui %eq3A_116 : vector<1440x32xi1> to vector<1440x32xi32>
    %convert_element_type3A_118 = arith.sitofp %convert_element_type3A_117 : vector<1440x32xi32> to vector<1440x32xf32>
    %dot_general3A_119 = arith.constant dense<0.000000e+00> : vector<1x32xf32>
    %dot_general3A_120 = tpu.matmul %integer_pow3A_82, %convert_element_type3A_118, %dot_general3A_119 {dimension_numbers = #tpu.dot_dimension_numbers<[0], [0], [1], [1], [0, 1, 1, 1], [], []>, transpose_lhs_hint = false} : vector<1440x1xf32>, vector<1440x32xf32>, vector<1x32xf32> -> vector<1x32xf32>
    %mul3A_121 = arith.constant 0.0222222228 : f32
    %mul3A_122 = vector.broadcast %mul3A_121 : f32 to vector<1x32xf32>
    %mul3A_123 = arith.mulf %dot_general3A_120, %mul3A_122 : vector<1x32xf32>
    %get3A_124 = arith.constant 2880 : index
    %get3A_125 = arith.constant 0 : index
    %get3A_126 = vector.load %arg2[%get3A_124, %get3A_125] : memref<5760x6xf32, #tpu.memory_space<vmem>>, vector<1440x6xf32>
    %broadcast_in_dim3A_127 = arith.constant 0.000000e+00 : f32
    %broadcast_in_dim3A_128 = vector.broadcast %broadcast_in_dim3A_127 : f32 to vector<1440x2xf32>
    %concatenate3A_129 = tpu.concatenate %get3A_126, %broadcast_in_dim3A_128 in 1 : vector<1440x6xf32>, vector<1440x2xf32> -> vector<1440x8xf32>
    %dot_general3A_130 = arith.constant dense<0.000000e+00> : vector<1440x512xf32>
    %dot_general3A_131 = tpu.matmul %concatenate3A_129, %get3A_3, %dot_general3A_130 {dimension_numbers = #tpu.dot_dimension_numbers<[1], [0], [0], [1], [0, 0, 1, 1], [], []>, transpose_lhs_hint = false} : vector<1440x8xf32>, vector<8x512xf32>, vector<1440x512xf32> -> vector<1440x512xf32>
    %reduce_max3A_132 = arith.constant dense<0xFF800000> : vector<1440xf32>
    %reduce_max3A_133 = vector.multi_reduction <maximumf>, %dot_general3A_131, %reduce_max3A_132 [1] : vector<1440x512xf32> to vector<1440xf32>
    %broadcast_in_dim3A_134 = vector.shape_cast %reduce_max3A_133 : vector<1440xf32> to vector<1440x1xf32>
    %sub3A_135 = vector.broadcast %broadcast_in_dim3A_134 : vector<1440x1xf32> to vector<1440x512xf32>
    %sub3A_136 = arith.subf %dot_general3A_131, %sub3A_135 : vector<1440x512xf32>
    %exp3A_137 = math.exp %sub3A_136 : vector<1440x512xf32>
    %reduce_sum3A_138 = arith.constant dense<0.000000e+00> : vector<1440xf32>
    %reduce_sum3A_139 = vector.multi_reduction <add>, %exp3A_137, %reduce_sum3A_138 [1] : vector<1440x512xf32> to vector<1440xf32>
    %broadcast_in_dim3A_140 = vector.shape_cast %reduce_sum3A_139 : vector<1440xf32> to vector<1440x1xf32>
    %dot_general3A_141 = arith.constant dense<0.000000e+00> : vector<1440x1xf32>
    %dot_general3A_142 = tpu.matmul %exp3A_137, %get3A_6, %dot_general3A_141 {dimension_numbers = #tpu.dot_dimension_numbers<[1], [1], [0], [0], [0, 0, 1, 0], [], []>, transpose_lhs_hint = false} : vector<1440x512xf32>, vector<1x512xf32>, vector<1440x1xf32> -> vector<1440x1xf32>
    %div3A_143 = arith.divf %dot_general3A_142, %broadcast_in_dim3A_140 : vector<1440x1xf32>
    %add3A_144 = vector.broadcast %get3A_10 : f32 to vector<1440x1xf32>
    %add3A_145 = arith.addf %div3A_143, %add3A_144 : vector<1440x1xf32>
    %slice3A_146 = vector.extract_strided_slice %get3A_126 {offsets = [0, 0], sizes = [1440, 1], strides = [1, 1]} : vector<1440x6xf32> to vector<1440x1xf32>
    %sub3A_147 = arith.subf %add3A_145, %slice3A_146 : vector<1440x1xf32>
    %integer_pow3A_148 = arith.mulf %sub3A_147, %sub3A_147 : vector<1440x1xf32>
    %iota3A_149 = tpu.iota {dimensions = array<i32: 0>} : vector<1440x32xi32>
    %jit3A_150 = arith.constant 45 : i32
    %div3A_151 = vector.broadcast %jit3A_150 : i32 to vector<1440x32xi32>
    %div3A_152 = arith.divsi %iota3A_149, %div3A_151 : vector<1440x32xi32>
    %sign3A_153 = arith.constant 0 : i32
    %sign3A_154 = vector.broadcast %sign3A_153 : i32 to vector<1440x32xi32>
    %sign3A_155 = arith.cmpi sgt, %iota3A_149, %sign3A_154 : vector<1440x32xi32>
    %sign3A_156 = arith.extui %sign3A_155 : vector<1440x32xi1> to vector<1440x32xi32>
    %sign3A_157 = arith.constant 0 : i32
    %sign3A_158 = vector.broadcast %sign3A_157 : i32 to vector<1440x32xi32>
    %sign3A_159 = arith.cmpi slt, %iota3A_149, %sign3A_158 : vector<1440x32xi32>
    %sign3A_160 = arith.extui %sign3A_159 : vector<1440x32xi1> to vector<1440x32xi32>
    %sign3A_161 = arith.subi %sign3A_156, %sign3A_160 : vector<1440x32xi32>
    %sign3A_162 = arith.constant 0 : i32
    %sign3A_163 = arith.cmpi sgt, %jit3A_150, %sign3A_162 : i32
    %sign3A_164 = arith.extui %sign3A_163 : i1 to i32
    %sign3A_165 = arith.constant 0 : i32
    %sign3A_166 = arith.cmpi slt, %jit3A_150, %sign3A_165 : i32
    %sign3A_167 = arith.extui %sign3A_166 : i1 to i32
    %sign3A_168 = arith.subi %sign3A_164, %sign3A_167 : i32
    %ne3A_169 = vector.broadcast %sign3A_168 : i32 to vector<1440x32xi32>
    %ne3A_170 = arith.cmpi ne, %sign3A_161, %ne3A_169 : vector<1440x32xi32>
    %rem3A_171 = vector.broadcast %jit3A_150 : i32 to vector<1440x32xi32>
    %rem3A_172 = arith.remsi %iota3A_149, %rem3A_171 : vector<1440x32xi32>
    %ne3A_173 = arith.constant 0 : i32
    %ne3A_174 = vector.broadcast %ne3A_173 : i32 to vector<1440x32xi32>
    %ne3A_175 = arith.cmpi ne, %rem3A_172, %ne3A_174 : vector<1440x32xi32>
    %and3A_176 = arith.andi %ne3A_170, %ne3A_175 : vector<1440x32xi1>
    %sub3A_177 = arith.constant 1 : i32
    %sub3A_178 = vector.broadcast %sub3A_177 : i32 to vector<1440x32xi32>
    %sub3A_179 = arith.subi %div3A_152, %sub3A_178 : vector<1440x32xi32>
    %select_n3A_180 = arith.select %and3A_176, %sub3A_179, %div3A_152 : vector<1440x32xi1>, vector<1440x32xi32>
    %iota3A_181 = tpu.iota {dimensions = array<i32: 1>} : vector<1440x32xi32>
    %eq3A_182 = arith.cmpi eq, %select_n3A_180, %iota3A_181 : vector<1440x32xi32>
    %convert_element_type3A_183 = arith.extui %eq3A_182 : vector<1440x32xi1> to vector<1440x32xi32>
    %convert_element_type3A_184 = arith.sitofp %convert_element_type3A_183 : vector<1440x32xi32> to vector<1440x32xf32>
    %dot_general3A_185 = arith.constant dense<0.000000e+00> : vector<1x32xf32>
    %dot_general3A_186 = tpu.matmul %integer_pow3A_148, %convert_element_type3A_184, %dot_general3A_185 {dimension_numbers = #tpu.dot_dimension_numbers<[0], [0], [1], [1], [0, 1, 1, 1], [], []>, transpose_lhs_hint = false} : vector<1440x1xf32>, vector<1440x32xf32>, vector<1x32xf32> -> vector<1x32xf32>
    %mul3A_187 = arith.constant 0.0222222228 : f32
    %mul3A_188 = vector.broadcast %mul3A_187 : f32 to vector<1x32xf32>
    %mul3A_189 = arith.mulf %dot_general3A_186, %mul3A_188 : vector<1x32xf32>
    %get3A_190 = arith.constant 4320 : index
    %get3A_191 = arith.constant 0 : index
    %get3A_192 = vector.load %arg2[%get3A_190, %get3A_191] : memref<5760x6xf32, #tpu.memory_space<vmem>>, vector<1440x6xf32>
    %broadcast_in_dim3A_193 = arith.constant 0.000000e+00 : f32
    %broadcast_in_dim3A_194 = vector.broadcast %broadcast_in_dim3A_193 : f32 to vector<1440x2xf32>
    %concatenate3A_195 = tpu.concatenate %get3A_192, %broadcast_in_dim3A_194 in 1 : vector<1440x6xf32>, vector<1440x2xf32> -> vector<1440x8xf32>
    %dot_general3A_196 = arith.constant dense<0.000000e+00> : vector<1440x512xf32>
    %dot_general3A_197 = tpu.matmul %concatenate3A_195, %get3A_3, %dot_general3A_196 {dimension_numbers = #tpu.dot_dimension_numbers<[1], [0], [0], [1], [0, 0, 1, 1], [], []>, transpose_lhs_hint = false} : vector<1440x8xf32>, vector<8x512xf32>, vector<1440x512xf32> -> vector<1440x512xf32>
    %reduce_max3A_198 = arith.constant dense<0xFF800000> : vector<1440xf32>
    %reduce_max3A_199 = vector.multi_reduction <maximumf>, %dot_general3A_197, %reduce_max3A_198 [1] : vector<1440x512xf32> to vector<1440xf32>
    %broadcast_in_dim3A_200 = vector.shape_cast %reduce_max3A_199 : vector<1440xf32> to vector<1440x1xf32>
    %sub3A_201 = vector.broadcast %broadcast_in_dim3A_200 : vector<1440x1xf32> to vector<1440x512xf32>
    %sub3A_202 = arith.subf %dot_general3A_197, %sub3A_201 : vector<1440x512xf32>
    %exp3A_203 = math.exp %sub3A_202 : vector<1440x512xf32>
    %reduce_sum3A_204 = arith.constant dense<0.000000e+00> : vector<1440xf32>
    %reduce_sum3A_205 = vector.multi_reduction <add>, %exp3A_203, %reduce_sum3A_204 [1] : vector<1440x512xf32> to vector<1440xf32>
    %broadcast_in_dim3A_206 = vector.shape_cast %reduce_sum3A_205 : vector<1440xf32> to vector<1440x1xf32>
    %dot_general3A_207 = arith.constant dense<0.000000e+00> : vector<1440x1xf32>
    %dot_general3A_208 = tpu.matmul %exp3A_203, %get3A_6, %dot_general3A_207 {dimension_numbers = #tpu.dot_dimension_numbers<[1], [1], [0], [0], [0, 0, 1, 0], [], []>, transpose_lhs_hint = false} : vector<1440x512xf32>, vector<1x512xf32>, vector<1440x1xf32> -> vector<1440x1xf32>
    %div3A_209 = arith.divf %dot_general3A_208, %broadcast_in_dim3A_206 : vector<1440x1xf32>
    %add3A_210 = vector.broadcast %get3A_10 : f32 to vector<1440x1xf32>
    %add3A_211 = arith.addf %div3A_209, %add3A_210 : vector<1440x1xf32>
    %slice3A_212 = vector.extract_strided_slice %get3A_192 {offsets = [0, 0], sizes = [1440, 1], strides = [1, 1]} : vector<1440x6xf32> to vector<1440x1xf32>
    %sub3A_213 = arith.subf %add3A_211, %slice3A_212 : vector<1440x1xf32>
    %integer_pow3A_214 = arith.mulf %sub3A_213, %sub3A_213 : vector<1440x1xf32>
    %iota3A_215 = tpu.iota {dimensions = array<i32: 0>} : vector<1440x32xi32>
    %jit3A_216 = arith.constant 45 : i32
    %div3A_217 = vector.broadcast %jit3A_216 : i32 to vector<1440x32xi32>
    %div3A_218 = arith.divsi %iota3A_215, %div3A_217 : vector<1440x32xi32>
    %sign3A_219 = arith.constant 0 : i32
    %sign3A_220 = vector.broadcast %sign3A_219 : i32 to vector<1440x32xi32>
    %sign3A_221 = arith.cmpi sgt, %iota3A_215, %sign3A_220 : vector<1440x32xi32>
    %sign3A_222 = arith.extui %sign3A_221 : vector<1440x32xi1> to vector<1440x32xi32>
    %sign3A_223 = arith.constant 0 : i32
    %sign3A_224 = vector.broadcast %sign3A_223 : i32 to vector<1440x32xi32>
    %sign3A_225 = arith.cmpi slt, %iota3A_215, %sign3A_224 : vector<1440x32xi32>
    %sign3A_226 = arith.extui %sign3A_225 : vector<1440x32xi1> to vector<1440x32xi32>
    %sign3A_227 = arith.subi %sign3A_222, %sign3A_226 : vector<1440x32xi32>
    %sign3A_228 = arith.constant 0 : i32
    %sign3A_229 = arith.cmpi sgt, %jit3A_216, %sign3A_228 : i32
    %sign3A_230 = arith.extui %sign3A_229 : i1 to i32
    %sign3A_231 = arith.constant 0 : i32
    %sign3A_232 = arith.cmpi slt, %jit3A_216, %sign3A_231 : i32
    %sign3A_233 = arith.extui %sign3A_232 : i1 to i32
    %sign3A_234 = arith.subi %sign3A_230, %sign3A_233 : i32
    %ne3A_235 = vector.broadcast %sign3A_234 : i32 to vector<1440x32xi32>
    %ne3A_236 = arith.cmpi ne, %sign3A_227, %ne3A_235 : vector<1440x32xi32>
    %rem3A_237 = vector.broadcast %jit3A_216 : i32 to vector<1440x32xi32>
    %rem3A_238 = arith.remsi %iota3A_215, %rem3A_237 : vector<1440x32xi32>
    %ne3A_239 = arith.constant 0 : i32
    %ne3A_240 = vector.broadcast %ne3A_239 : i32 to vector<1440x32xi32>
    %ne3A_241 = arith.cmpi ne, %rem3A_238, %ne3A_240 : vector<1440x32xi32>
    %and3A_242 = arith.andi %ne3A_236, %ne3A_241 : vector<1440x32xi1>
    %sub3A_243 = arith.constant 1 : i32
    %sub3A_244 = vector.broadcast %sub3A_243 : i32 to vector<1440x32xi32>
    %sub3A_245 = arith.subi %div3A_218, %sub3A_244 : vector<1440x32xi32>
    %select_n3A_246 = arith.select %and3A_242, %sub3A_245, %div3A_218 : vector<1440x32xi1>, vector<1440x32xi32>
    %iota3A_247 = tpu.iota {dimensions = array<i32: 1>} : vector<1440x32xi32>
    %eq3A_248 = arith.cmpi eq, %select_n3A_246, %iota3A_247 : vector<1440x32xi32>
    %convert_element_type3A_249 = arith.extui %eq3A_248 : vector<1440x32xi1> to vector<1440x32xi32>
    %convert_element_type3A_250 = arith.sitofp %convert_element_type3A_249 : vector<1440x32xi32> to vector<1440x32xf32>
    %dot_general3A_251 = arith.constant dense<0.000000e+00> : vector<1x32xf32>
    %dot_general3A_252 = tpu.matmul %integer_pow3A_214, %convert_element_type3A_250, %dot_general3A_251 {dimension_numbers = #tpu.dot_dimension_numbers<[0], [0], [1], [1], [0, 1, 1, 1], [], []>, transpose_lhs_hint = false} : vector<1440x1xf32>, vector<1440x32xf32>, vector<1x32xf32> -> vector<1x32xf32>
    %mul3A_253 = arith.constant 0.0222222228 : f32
    %mul3A_254 = vector.broadcast %mul3A_253 : f32 to vector<1x32xf32>
    %mul3A_255 = arith.mulf %dot_general3A_252, %mul3A_254 : vector<1x32xf32>
    %concatenate3A_256 = tpu.concatenate %mul3A_57, %mul3A_123, %mul3A_189, %mul3A_255 in 1 : vector<1x32xf32>, vector<1x32xf32>, vector<1x32xf32>, vector<1x32xf32> -> vector<1x128xf32>
    %reshape3A = vector.shape_cast %concatenate3A_256 : vector<1x128xf32> to vector<1x1x1x128xf32>
    %swap3A = arith.constant 0 : index
    %swap3A_257 = arith.constant 0 : index
    %swap3A_258 = arith.constant 0 : index
    %swap3A_259 = arith.constant 0 : index
    %swap3A_260 = vector.load %arg11[%swap3A, %swap3A_257, %swap3A_258, %swap3A_259] : memref<1x1x1x128xf32, #tpu.memory_space<vmem>>, vector<1x1x1x128xf32>
    tpu.vector_store %arg11[%swap3A, %swap3A_257, %swap3A_258, %swap3A_259], %reshape3A {strides = array<i32>} : memref<1x1x1x128xf32, #tpu.memory_space<vmem>>, vector<1x1x1x128xf32>,
    return
  }
  func.func @transform_0(%arg0: i32, %arg1: i32) -> (i32, i32) {
    %mul3A = arith.constant 4 : i32
    %mul3A_0 = arith.muli %arg0, %mul3A : i32
    %add3A = arith.addi %mul3A_0, %arg1 : i32
    %c0_i32 = arith.constant 0 : i32
    %c0_i32_1 = arith.constant 0 : i32
    return %add3A, %c0_i32 : i32, i32
  }
  func.func @transform_1(%arg0: i32, %arg1: i32) -> (i32, i32, i32) {
    %c0_i32 = arith.constant 0 : i32
    %c0_i32_0 = arith.constant 0 : i32
    %c0_i32_1 = arith.constant 0 : i32
    return %arg0, %c0_i32, %c0_i32_0 : i32, i32, i32
  }
  func.func @transform_2(%arg0: i32, %arg1: i32) -> (i32, i32, i32) {
    %c0_i32 = arith.constant 0 : i32
    %c0_i32_0 = arith.constant 0 : i32
    %c0_i32_1 = arith.constant 0 : i32
    return %arg0, %c0_i32, %c0_i32_0 : i32, i32, i32
  }
  func.func @transform_3(%arg0: i32, %arg1: i32) -> (i32, i32) {
    %c0_i32 = arith.constant 0 : i32
    %c0_i32_0 = arith.constant 0 : i32
    %c0_i32_1 = arith.constant 0 : i32
    return %c0_i32, %c0_i32_0 : i32, i32
  }
  func.func @transform_4(%arg0: i32, %arg1: i32) -> (i32, i32) {
    %c0_i32 = arith.constant 0 : i32
    %c0_i32_0 = arith.constant 0 : i32
    %c0_i32_1 = arith.constant 0 : i32
    return %c0_i32, %c0_i32_0 : i32, i32
  }
  func.func @transform_5(%arg0: i32, %arg1: i32) -> (i32, i32) {
    %c0_i32 = arith.constant 0 : i32
    %c0_i32_0 = arith.constant 0 : i32
    %c0_i32_1 = arith.constant 0 : i32
    return %c0_i32, %c0_i32_0 : i32, i32
  }
  func.func @transform_6(%arg0: i32, %arg1: i32) -> (i32, i32) {
    %c0_i32 = arith.constant 0 : i32
    %c0_i32_0 = arith.constant 0 : i32
    %c0_i32_1 = arith.constant 0 : i32
    return %c0_i32, %c0_i32_0 : i32, i32
  }
  func.func @transform_7(%arg0: i32, %arg1: i32) -> (i32, i32) {
    %c0_i32 = arith.constant 0 : i32
    %c0_i32_0 = arith.constant 0 : i32
    %c0_i32_1 = arith.constant 0 : i32
    return %c0_i32, %c0_i32_0 : i32, i32
  }
  func.func @transform_8(%arg0: i32, %arg1: i32) -> (i32, i32) {
    %c0_i32 = arith.constant 0 : i32
    %c0_i32_0 = arith.constant 0 : i32
    %c0_i32_1 = arith.constant 0 : i32
    return %c0_i32, %c0_i32_0 : i32, i32
  }
  func.func @transform_9(%arg0: i32, %arg1: i32) -> (i32, i32, i32, i32) {
    %c0_i32 = arith.constant 0 : i32
    %c0_i32_0 = arith.constant 0 : i32
    %c0_i32_1 = arith.constant 0 : i32
    return %arg0, %arg1, %c0_i32, %c0_i32_0 : i32, i32, i32, i32
  }
}

</mosaic_0001>

<sc_bundles>
// kernel: kernel.4.cloned.1.call-start
scs
__scs_entry_jumppad:
0x0: {  	(pc) =	sbr.rel $0x88, $3  }
0x1: {  	(tag) =	ssettag $0x0;
	lr =	simm.s32 $0x1  }
0x2: {  	[smem:$0x3F97] =	sst lr;
	_ =	strace $0xD0000000  }
0x3: {  	_ = 	snop  }
0x4: {  	_ = 	snop  }
0x5: {  	_ = 	snop  }
0x6: {  	_ = 	snop  }
0x7: {  	_ = 	snop  }
__scs_overlays_trampoline_lowered:
0x8: {  	[smem:$0x3FA6] =	sst s0  }
0x9: {  	[smem:$0x3FA7] =	sst s1  }
0xa: {  	[smem:$0x3FA8] =	sst s2  }
0xb: {  	[smem:$0x3FA9] =	sst s3  }
0xc: {  	[smem:$0x3FAA] =	sst s4  }
0xd: {  	[smem:$0x3FAB] =	sst s5  }
0xe: {  	[smem:$0x3FAC] =	sst s6  }
0xf: {  	[smem:$0x3FAD] =	sst s7  }
0x10: {  	[smem:$0x3FAE] =	sst s8  }
0x11: {  	[smem:$0x3FAF] =	sst s9;
	s0 =	simm.s32 @!p0 $0x0  }
0x12: {  	s1 =	sld [smem:$0x3F95];
	s0 =	simm.s32 @p0 $0x1  }
0x13: {  	[smem:$0x3FB0] =	sst s0;
	s0 =	simm.s32 @!p1 $0x0  }
0x14: {  	s2 =	sld [smem:$0x3F94];
	s0 =	simm.s32 @p1 $0x1  }
0x15: {  	[smem:$0x3FB1] =	sst s0;
	s0 =	simm.s32 @!p2 $0x0  }
0x16: {  	s3 =	sld [smem:$0x3FDB];
	s0 =	simm.s32 @p2 $0x1  }
0x17: {  	s4 =	simm.s32 $0x1BF5;
	[smem:$0x3FB3] =	sst s0  }
0x18: {  	s0 =	sld [smem:$0x3F96];
	_ =	swait.ge [sflag:s4], $0x0  }
0x19: {  	s7 =	sld [smem:$0x3F97]  }
0x1a: {  	s8 =	sadd.s32 $0xFFFFE003, lr  }
0x1b: {  	s9 =	sadd.s32 $0xFFFFFEF7, lr;
	s5 =	simm.s32 $0xFFFFFFFF;
	p2 =	slt.u32 s8, $0xFFFFF086  }
0x1c: {  	p1 =	slt.u32 s9, $0xF7A;
	s5 =	simm.s32 @!p2 $0x0  }
0x1d: {  	s5 =	simm.s32 @p1 $0x1;
	p0 =	seq.s32 s7, s2  }
0x1e: {  	s7 =	smul.u32 @!p0 $0xF7A, s2;
	p2 =	seq.s32 @!p0 s5, $0x0  }
0x1f: {  	s9 =	smul.u32 $0xF7A, s1;
	s8 =	simm.s32 @!p0 $0x1BF5;
	p2 =	por !p2, p0  }
0x20: {  	[sflag:s8] =	ssyncset.s32 @!p0 $0xFFFFF086;
	s6 =	sadd.s32 @!p0 s3, s7;
	s7 =	simm.s32 @!p0 $0x108  }
0x21: {  	s3 =	sadd.s32 s3, s9;
	s6 =	sadd.s32 @!p0 $0x88, s6;
	s7 =	simm.s32 @p2 $0x1082  }
0x22: {  	[simem:s7], [sflag:s8] =	dma.local @!p0 [hbm:s6], $0xF7A  }
0x23: {  	s9 =	sor.u32 $0xD0000000, s2;
	s6 =	simm.s32 $0x108;
	_ =	swait.ge @!p0 [sflag:s8], $0x0  }
0x24: {  	s3 =	sadd.s32 $0x88, s3;
	s6 =	simm.s32 @!p1 $0x1082;
	[sflag:s4] =	ssyncset.s32 $0xFFFFF086  }
0x25: {  	[simem:s6], [sflag:s4] =	dma.local [hbm:s3], $0xF7A  }
0x26: {  	[smem:$0x3F97] =	sst s1;
	(tag) =	ssettag s2;
	_ =	strace s9  }
0x27: {  	s1 =	sld [smem:$0x3FA7]  }
0x28: {  	s2 =	sld [smem:$0x3FA8]  }
0x29: {  	s4 =	sld [smem:$0x3FAA]  }
0x2a: {  	p0 =	seq.s32 s5, $0x0;
	s5 =	sld [smem:$0x3FAB]  }
0x2b: {  	s6 =	sld [smem:$0x3FAC]  }
0x2c: {  	s7 =	sld [smem:$0x3FAD]  }
0x2d: {  	s3 =	simm.s32 $0x108;
	s8 =	sld [smem:$0x3FAE]  }
0x2e: {  	s3 =	simm.s32 @!p0 $0x1082;
	s9 =	sld [smem:$0x3FAF]  }
0x2f: {  	lr =	sadd.s32 s0, s3;
	s0 =	sld [smem:$0x3FA6]  }
0x30: {  	s3 =	sld [smem:$0x3FA9]  }
0x31: {  	[smem:$0x3FB2] =	sst s10  }
0x32: {  	s10 =	sld [smem:$0x3FB0];
	_ =	sdelay $0x3  }
0x33: {  	p0 =	seq.s32 s10, $0x1;
	s10 =	sld [smem:$0x3FB2];
	_ =	sdelay $0x3  }
0x34: {  	[smem:$0x3FB2] =	sst s10  }
0x35: {  	s10 =	sld [smem:$0x3FB1];
	_ =	sdelay $0x3  }
0x36: {  	p1 =	seq.s32 s10, $0x1;
	s10 =	sld [smem:$0x3FB2];
	_ =	sdelay $0x3  }
0x37: {  	[smem:$0x3FB2] =	sst s10  }
0x38: {  	s10 =	sld [smem:$0x3FB3]  }
0x39: {  	_ = 	snop;
	(pc) =	sbr.ind lr, $3  }
0x3a: {  	_ = 	snop  }
0x3b: {  	_ = 	snop  }
0x3c: {  	p2 =	seq.s32 s10, $0x1;
	s10 =	sld [smem:$0x3FB2]  }
0x3d: {  	_ =	shalt  }
0x3e: {  	_ =	shalt  }
0x3f: {  	_ =	shalt  }
0x40: {  	_ =	shalt  }
0x41: {  	_ =	shalt  }
0x42: {  	_ =	shalt  }
0x43: {  	_ =	shalt  }
0x44: {  	_ =	shalt  }
0x45: {  	_ =	shalt  }
0x46: {  	_ =	shalt  }
0x47: {  	_ =	shalt  }
0x48: {  	_ =	shalt  }
0x49: {  	_ =	shalt  }
0x4a: {  	_ =	shalt  }
0x4b: {  	_ =	shalt  }
0x4c: {  	_ =	shalt  }
0x4d: {  	_ =	shalt  }
0x4e: {  	_ =	shalt  }
0x4f: {  	_ =	shalt  }
0x50: {  	_ =	shalt  }
0x51: {  	_ =	shalt  }
0x52: {  	_ =	shalt  }
0x53: {  	_ =	shalt  }
0x54: {  	_ =	shalt  }
0x55: {  	_ =	shalt  }
0x56: {  	_ =	shalt  }
0x57: {  	_ =	shalt  }
0x58: {  	_ =	shalt  }
0x59: {  	_ =	shalt  }
0x5a: {  	_ =	shalt  }
0x5b: {  	_ =	shalt  }
0x5c: {  	_ =	shalt  }
0x5d: {  	_ =	shalt  }
0x5e: {  	_ =	shalt  }
0x5f: {  	_ =	shalt  }
0x60: {  	_ =	shalt  }
0x61: {  	_ =	shalt  }
0x62: {  	_ =	shalt  }
0x63: {  	_ =	shalt  }
0x64: {  	_ =	shalt  }
0x65: {  	_ =	shalt  }
0x66: {  	_ =	shalt  }
0x67: {  	_ =	shalt  }
0x68: {  	_ =	shalt  }
0x69: {  	_ =	shalt  }
0x6a: {  	_ =	shalt  }
0x6b: {  	_ =	shalt  }
0x6c: {  	_ =	shalt  }
0x6d: {  	_ =	shalt  }
0x6e: {  	_ =	shalt  }
0x6f: {  	_ =	shalt  }
0x70: {  	_ =	shalt  }
0x71: {  	_ =	shalt  }
0x72: {  	_ =	shalt  }
0x73: {  	_ =	shalt  }
0x74: {  	_ =	shalt  }
0x75: {  	_ =	shalt  }
0x76: {  	_ =	shalt  }
0x77: {  	_ =	shalt  }
0x78: {  	_ =	shalt  }
0x79: {  	_ =	shalt  }
0x7a: {  	_ =	shalt  }
0x7b: {  	_ =	shalt  }
0x7c: {  	_ =	shalt  }
0x7d: {  	_ =	shalt  }
0x7e: {  	_ =	shalt  }
0x7f: {  	_ =	shalt  }
0x80: {  	_ =	shalt  }
0x81: {  	_ =	shalt  }
0x82: {  	_ =	shalt  }
0x83: {  	_ =	shalt  }
0x84: {  	_ =	shalt  }
0x85: {  	_ =	shalt  }
0x86: {  	_ =	shalt  }
0x87: {  	_ =	shalt  }
.Lfunc_end0:
.L_simem_size_0:
called_computation_lowered:
.L_overlay_start_0:
0x88: {  	s2 =	sld [smem:$0x3FD9]  }
0x89: {  	s3 =	sld [smem:$0x3FFE];
	_ =	sdelay $0x1  }
0x8a: {  	s1 =	srdreg.scid  }
0x8b: {  	s0 =	sand.u32 $0x1, s1  }
0x8c: {  	s17 =	sshll.u32 s0, $0xA;
	s2 =	sadd.s32 s3, s2  }
0x8d: {  	s2 =	sadd.s32 s2, s17  }
0x8e: {  	[smem:$0x3FBE] =	sst s2  }
0x8f: {  	_ = 	snop  }
0x90: {  	s2 =	sld [smem:$0x3FC6]  }
0x91: {  	s18 =	sld [smem:$0x3FD0];
	(tm) =	ssettm $0x1  }
0x92: {  	s4 =	sld [smem:$0x3FFB];
	_ =	sdelay $0x3  }
0x93: {  	_ =	strace s4  }
0x94: {  	s4 =	sld [smem:$0x3FFC];
	_ =	sdelay $0x3  }
0x95: {  	_ =	strace s4  }
0x96: {  	s4 =	sld [smem:$0x3FFD];
	_ =	sdelay $0x3  }
0x97: {  	_ =	strace s4  }
0x98: {  	_ =	strace $0x8FFFFFFF  }
0x99: {  	s19 =	sld [smem:$0x3FDB];
	_ =	sdelay $0x1  }
0x9a: {  	s5 =	simm.s32 $_scs_section_size  }
0x9b: {  	s6 =	simm.s32 $_size__tile_overlayer_lowered;
	s7 =	simm.s32 $_tile_overlayer_lowered  }
0x9c: {  	s22 =	simm.s32 $0x1BFF;
	s21 =	sshll.u32 s7, $0x1;
	s4 =	sadd.s32 s5, s19  }
0x9d: {  	s8 =	simm.s32 $0x0;
	s20 =	sshll.u32 s6, $0x1;
	s6 =	sadd.s32 s21, s4  }
0x9e: {  	[timem:s8], [sflag:s22] =	dma.local [hbm:s6], s20  }
0x9f: {  	_ =	swait.ge [sflag:s22], s20  }
0xa0: {  	s5 =	ssub.s32 $0x0, s20;
	[sflag:s22] =	ssyncset.done $0x0  }
0xa1: {  	[sflag:s22] =	ssyncadd.s32 s5;
	_ =	sdelay $0x1  }
0xa2: {  	s23 =	simm.s32 $0x1B8B  }
0xa3: {  	_ =	swait.ge [sflag:s23], $0x1  }
0xa4: {  	[sflag:s23] =	ssyncset.done $0x0  }
0xa5: {  	s25 =	simm.s32 $0x1B8E;
	s24 =	sld [smem:$0x3FFE];
	[sflag:s23] =	ssyncadd.s32 $0xFFFFFFFF  }
0xa6: {  	s26 =	simm.s32 $execute0_lowered;
	[smem:$0x3FD2] =	sst s25  }
0xa7: {  	s6 =	sshll.u32 s26, $0x1;
	_ =	strace $0x80000046;
	[dreg:$0x1] =	wrdreg $0xFFFFFFFF  }
0xa8: {  	s28 =	simm.s32 $_size_execute0_lowered;
	s4 =	sadd.s32 s4, s6;
	[dreg:$0x0] =	wrdreg $0x0  }
0xa9: {  	s6 =	sshll.u32 s28, $0x1;
	[dreg:$0x2] =	wrdreg s4  }
0xaa: {  	[dreg:$0x3] =	wrdreg s6  }
0xab: {  	[dreg:$0x4] =	wrdreg $0xC0  }
0xac: {  	_ =	task [dreg:s8], $0x5FFFF  }
0xad: {  	[dreg:$0x1] =	wrdreg $0xFFFFFFFF  }
0xae: {  	[dreg:$0x0] =	wrdreg $0x60  }
0xaf: {  	[dreg:$0x2] =	wrdreg s2  }
0xb0: {  	[dreg:$0x3] =	wrdreg s24  }
0xb1: {  	[dreg:$0x4] =	wrdreg s18  }
0xb2: {  	[dreg:$0x5] =	wrdreg $0x9  }
0xb3: {  	_ =	task.clear_ibuf [dreg:s8], $0x6FFFF;
	_ =	strace $0x90000046  }
0xb4: {  	s29 =	simm.s32 $0x9;
	_ =	strace $0x80000048  }
0xb5: {  	_ =	swait.ge [sflag:s29], $0x1  }
0xb6: {  	[sflag:s29] =	ssyncadd.s32 $0xFFFFFFFF  }
0xb7: {  	_ =	strace $0x90000048  }
0xb8: {  	_ =	sfence  }
0xb9: {  	s30 =	sld [smem:$0x0];
	_ =	sdelay $0x2  }
0xba: {  	s31 =	sshll.u32 s1, $0xD;
	s1 =	sshrl.u32 s1, $0x2  }
0xbb: {  	s3 =	sand.u32 $0x4000, s31;
	s1 =	sadd.s32 s1, s30  }
0xbc: {  	s0 =	sor.u32 s3, s0;
	s1 =	sshll.u32 s1, $0x11  }
0xbd: {  	s0 =	sor.u32 s1, s0  }
0xbe: {  	s0 =	sadd.s32 $0x8F2B, s0  }
0xbf: {  	[sflag:s0] =	ssyncadd.remote.s32 $0x1  }
0xc0: {  	_ =	sfence.sel $0xFFFF  }
0xc1: {  	[dreg:$0x0] =	wrdreg $0xFFFFFFFF;
	(pc) =	sbr.abs _section_cstart, $3  }
0xc2: {  	[dreg:$0x1] =	wrdreg $0xFFFFFFFF  }
0xc3: {  	_ =	task.clear_ibuf [dreg:s8], $0x2FFFF;
	_ =	strace $0x9FFFFFFF  }
0xc4: {  	(tm) =	ssettm $0x7FFFFFFF  }
0xc5: {  	_ =	shalt  }
tec
execute0_lowered:
.L_overlay_start_1:
0x0: {  	(tag) =	ssettag $0x1  }
0x1: {  	s1 =	rddreg [dreg:$0x0]  }
0x2: {  	s7 =	rddreg [dreg:$0x1];
	s2 =	srdreg.scid  }
0x3: {  	s0 =	stileid.u32;
	s3 =	rddreg [dreg:$0x2];
	s4 =	simm.s32 $0x0  }
0x4: {  	s13 =	simm.s32 $0x25F0;
	s14 =	simm.s32 $0x47B0;
	s15 =	simm.s32 $0x1  }
0x5: {  	s6 =	sand.u32 $0x1, s2;
	s2 =	rddreg [dreg:$0x3];
	s10 =	smul.u32 $0x900, s0  }
0x6: {  	s5 =	sshll.u32 s0, $0x1;
	[smem:$0x7FF] =	sst s4;
	s12 =	smul.u32 $0x480, s6  }
0x7: {  	s5 =	sor.u32 s6, s5;
	_ =	strace $0x80000047;
	s9 =	ssub.s32 $0x2, s6  }
0x8: {  	s6 =	sadd.s32 $0x1800, s7;
	s8 =	smul.u32 $0x438, s5;
	s31 =	sadd.s32 s12, s10  }
0x9: {  	s5 =	sadd.s32 $0x1200, s7;
	s11 =	sshrl.u32 s9, $0x1;
	s16 =	sshrl.u32 s31, $0x2  }
0xa: {  	s30 =	ssub.s32 s9, s11;
	s9 =	simm.s32 $0x2;
	s10 =	simm.s32 $0x2410;
	v0 =	vmov s16  }
0xb: {  	s11 =	simm.s32 $0x2500;
	s12 =	simm.s32 $0x21C0;
	s7 =	sadd.s32 s8, s7  }
0xc: {  	s8 =	smax.u32 s30, $0x1;
	s7 =	sadd.s32 $0x1A00, s7;
	s16 =	simm.s32 $0x0  }
.LBB2_1:
0xd: {  	[tilespmem:s4], [sflag:$0x2] =	stream.linear.gather [hbm4b:s5+s4], $0x2400, $0x38;
	[tilespmem:$0x6970] =	vst v63  }
0xe: {  	_ =	swait.ge [sflag:s9], $0x2400  }
0xf: {  	[sflag:s9] =	ssyncset.done $0x0  }
0x10: {  	[sflag:s9] =	ssyncadd.s32 $0xFFFFDC00  }
0x11: {  	[tilespmem:s10], [sflag:$0x2] =	stream.linear.gather [hbm4b:s3+s4], $0xF0, $0x38;
	[tilespmem:$0x6970] =	vst v63  }
0x12: {  	_ =	swait.ge [sflag:s9], $0xF0  }
0x13: {  	[sflag:s9] =	ssyncset.done $0x0  }
0x14: {  	[sflag:s9] =	ssyncadd.s32 $0xFFFFFF10  }
0x15: {  	[tilespmem:s11], [sflag:$0x2] =	stream.linear.gather [hbm4b:s6+s4], $0xF0, $0x38;
	[tilespmem:$0x6970] =	vst v63  }
0x16: {  	_ =	swait.ge [sflag:s9], $0xF0  }
0x17: {  	[sflag:s9] =	ssyncset.done $0x0  }
0x18: {  	s17 =	simm.s32 $0x0;
	[sflag:s9] =	ssyncadd.s32 $0xFFFFFF10  }
0x19: {  	v1 =	vld.idx.msk [tilespmem:v0+s17+$0x0 ss:$0x1], $0xffff  }
0x1a: {  	v2 =	vld [tilespmem:$0x2410];
	_ =	sdelay $0x1  }
0x1b: {  	v3 =	vld [tilespmem:$0x2500];
	_ =	sdelay $0x2  }
0x1c: {  	v2 =	vperm.xlane v1, v2;
	_ =	sdelay $0x1  }
0x1d: {  	s17 =	simm.s32 $0x2660;
	v2 =	vadd.s32 v2, v3  }
0x1e: {  	[tilespmem:s17+$0xFFFFFF90] =	vst v2  }
0x1f: {  	v2 =	vld [tilespmem:$0x2420];
	_ =	sdelay $0x1  }
0x20: {  	v3 =	vld [tilespmem:$0x2510];
	_ =	sdelay $0x2  }
0x21: {  	v2 =	vperm.xlane v1, v2;
	_ =	sdelay $0x1  }
0x22: {  	v2 =	vadd.s32 v2, v3  }
0x23: {  	[tilespmem:s17+$0xFFFFFFA0] =	vst v2  }
0x24: {  	v2 =	vld [tilespmem:$0x2430];
	_ =	sdelay $0x1  }
0x25: {  	v3 =	vld [tilespmem:$0x2520];
	_ =	sdelay $0x2  }
0x26: {  	v2 =	vperm.xlane v1, v2;
	_ =	sdelay $0x1  }
0x27: {  	v2 =	vadd.s32 v2, v3  }
0x28: {  	[tilespmem:s17+$0xFFFFFFB0] =	vst v2  }
0x29: {  	v2 =	vld [tilespmem:$0x2440];
	_ =	sdelay $0x1  }
0x2a: {  	v3 =	vld [tilespmem:$0x2530];
	_ =	sdelay $0x2  }
0x2b: {  	v2 =	vperm.xlane v1, v2;
	_ =	sdelay $0x1  }
0x2c: {  	v2 =	vadd.s32 v2, v3  }
0x2d: {  	[tilespmem:s17+$0xFFFFFFC0] =	vst v2  }
0x2e: {  	v2 =	vld [tilespmem:$0x2450];
	_ =	sdelay $0x1  }
0x2f: {  	v3 =	vld [tilespmem:$0x2540];
	_ =	sdelay $0x2  }
0x30: {  	v2 =	vperm.xlane v1, v2;
	_ =	sdelay $0x1  }
0x31: {  	v2 =	vadd.s32 v2, v3  }
0x32: {  	[tilespmem:s17+$0xFFFFFFD0] =	vst v2  }
0x33: {  	v2 =	vld [tilespmem:$0x2460];
	_ =	sdelay $0x1  }
0x34: {  	v3 =	vld [tilespmem:$0x2550];
	_ =	sdelay $0x2  }
0x35: {  	v2 =	vperm.xlane v1, v2;
	_ =	sdelay $0x1  }
0x36: {  	v2 =	vadd.s32 v2, v3  }
0x37: {  	[tilespmem:s17+$0xFFFFFFE0] =	vst v2  }
0x38: {  	v2 =	vld [tilespmem:$0x2470];
	_ =	sdelay $0x1  }
0x39: {  	v3 =	vld [tilespmem:$0x2560];
	_ =	sdelay $0x2  }
0x3a: {  	v2 =	vperm.xlane v1, v2;
	_ =	sdelay $0x1  }
0x3b: {  	v2 =	vadd.s32 v2, v3  }
0x3c: {  	[tilespmem:s17+$0xFFFFFFF0] =	vst v2  }
0x3d: {  	v2 =	vld [tilespmem:$0x2480];
	_ =	sdelay $0x1  }
0x3e: {  	v3 =	vld [tilespmem:$0x2570];
	_ =	sdelay $0x2  }
0x3f: {  	v2 =	vperm.xlane v1, v2;
	_ =	sdelay $0x1  }
0x40: {  	v2 =	vadd.s32 v2, v3  }
0x41: {  	[tilespmem:s17+$0x0] =	vst v2  }
0x42: {  	v2 =	vld [tilespmem:$0x2490];
	_ =	sdelay $0x1  }
0x43: {  	v3 =	vld [tilespmem:$0x2580];
	_ =	sdelay $0x2  }
0x44: {  	v2 =	vperm.xlane v1, v2;
	_ =	sdelay $0x1  }
0x45: {  	v2 =	vadd.s32 v2, v3  }
0x46: {  	[tilespmem:s17+$0x10] =	vst v2  }
0x47: {  	v2 =	vld [tilespmem:$0x24A0];
	_ =	sdelay $0x1  }
0x48: {  	v3 =	vld [tilespmem:$0x2590];
	_ =	sdelay $0x2  }
0x49: {  	v2 =	vperm.xlane v1, v2;
	_ =	sdelay $0x1  }
0x4a: {  	v2 =	vadd.s32 v2, v3  }
0x4b: {  	[tilespmem:s17+$0x20] =	vst v2  }
0x4c: {  	v2 =	vld [tilespmem:$0x24B0];
	_ =	sdelay $0x1  }
0x4d: {  	v3 =	vld [tilespmem:$0x25A0];
	_ =	sdelay $0x2  }
0x4e: {  	v2 =	vperm.xlane v1, v2;
	_ =	sdelay $0x1  }
0x4f: {  	v2 =	vadd.s32 v2, v3  }
0x50: {  	[tilespmem:s17+$0x30] =	vst v2  }
0x51: {  	v2 =	vld [tilespmem:$0x24C0];
	_ =	sdelay $0x1  }
0x52: {  	v3 =	vld [tilespmem:$0x25B0];
	_ =	sdelay $0x2  }
0x53: {  	v2 =	vperm.xlane v1, v2;
	_ =	sdelay $0x1  }
0x54: {  	v2 =	vadd.s32 v2, v3  }
0x55: {  	[tilespmem:s17+$0x40] =	vst v2  }
0x56: {  	v2 =	vld [tilespmem:$0x24D0];
	_ =	sdelay $0x1  }
0x57: {  	v3 =	vld [tilespmem:$0x25C0];
	_ =	sdelay $0x2  }
0x58: {  	v2 =	vperm.xlane v1, v2;
	_ =	sdelay $0x1  }
0x59: {  	v2 =	vadd.s32 v2, v3  }
0x5a: {  	[tilespmem:s17+$0x50] =	vst v2  }
0x5b: {  	v2 =	vld [tilespmem:$0x24E0];
	_ =	sdelay $0x1  }
0x5c: {  	v3 =	vld [tilespmem:$0x25D0];
	_ =	sdelay $0x2  }
0x5d: {  	v2 =	vperm.xlane v1, v2;
	_ =	sdelay $0x1  }
0x5e: {  	v2 =	vadd.s32 v2, v3  }
0x5f: {  	[tilespmem:s17+$0x60] =	vst v2  }
0x60: {  	v2 =	vld [tilespmem:$0x24F0];
	_ =	sdelay $0x1  }
0x61: {  	v3 =	vld [tilespmem:$0x25E0];
	_ =	sdelay $0x2  }
0x62: {  	v1 =	vperm.xlane v1, v2;
	_ =	sdelay $0x1  }
0x63: {  	s18 =	simm.s32 $0x20;
	s20 =	simm.s32 $0x40;
	v1 =	vadd.s32 v1, v3  }
.LBB2_2:
0x64: {  	s21 =	sshra.s32 s18, $0x2  }
0x65: {  	[tilespmem:s17+$0x70] =	vst v1;
	s17 =	sadd.s32 $0xF0, s17;
	s18 =	smov.u32 s20;
	s19 =	sadd.s32 $0x20, s20  }
0x66: {  	p0 =	sne.s32 s20, $0x460;
	v1 =	vld.idx.msk [tilespmem:v0+s21+$0x0 ss:$0x1], $0xffff  }
0x67: {  	v2 =	vld [tilespmem:$0x2410];
	_ =	sdelay $0x1  }
0x68: {  	v3 =	vld [tilespmem:$0x2500];
	_ =	sdelay $0x2  }
0x69: {  	v2 =	vperm.xlane v1, v2;
	_ =	sdelay $0x1  }
0x6a: {  	v2 =	vadd.s32 v2, v3  }
0x6b: {  	[tilespmem:s17+$0xFFFFFF90] =	vst v2  }
0x6c: {  	v2 =	vld [tilespmem:$0x2420];
	_ =	sdelay $0x1  }
0x6d: {  	v3 =	vld [tilespmem:$0x2510];
	_ =	sdelay $0x2  }
0x6e: {  	v2 =	vperm.xlane v1, v2;
	_ =	sdelay $0x1  }
0x6f: {  	v2 =	vadd.s32 v2, v3  }
0x70: {  	[tilespmem:s17+$0xFFFFFFA0] =	vst v2  }
0x71: {  	v2 =	vld [tilespmem:$0x2430];
	_ =	sdelay $0x1  }
0x72: {  	v3 =	vld [tilespmem:$0x2520];
	_ =	sdelay $0x2  }
0x73: {  	v2 =	vperm.xlane v1, v2;
	_ =	sdelay $0x1  }
0x74: {  	v2 =	vadd.s32 v2, v3  }
0x75: {  	[tilespmem:s17+$0xFFFFFFB0] =	vst v2  }
0x76: {  	v2 =	vld [tilespmem:$0x2440];
	_ =	sdelay $0x1  }
0x77: {  	v3 =	vld [tilespmem:$0x2530];
	_ =	sdelay $0x2  }
0x78: {  	v2 =	vperm.xlane v1, v2;
	_ =	sdelay $0x1  }
0x79: {  	v2 =	vadd.s32 v2, v3  }
0x7a: {  	[tilespmem:s17+$0xFFFFFFC0] =	vst v2  }
0x7b: {  	v2 =	vld [tilespmem:$0x2450];
	_ =	sdelay $0x1  }
0x7c: {  	v3 =	vld [tilespmem:$0x2540];
	_ =	sdelay $0x2  }
0x7d: {  	v2 =	vperm.xlane v1, v2;
	_ =	sdelay $0x1  }
0x7e: {  	v2 =	vadd.s32 v2, v3  }
0x7f: {  	[tilespmem:s17+$0xFFFFFFD0] =	vst v2  }
0x80: {  	v2 =	vld [tilespmem:$0x2460];
	_ =	sdelay $0x1  }
0x81: {  	v3 =	vld [tilespmem:$0x2550];
	_ =	sdelay $0x2  }
0x82: {  	v2 =	vperm.xlane v1, v2;
	_ =	sdelay $0x1  }
0x83: {  	v2 =	vadd.s32 v2, v3  }
0x84: {  	[tilespmem:s17+$0xFFFFFFE0] =	vst v2  }
0x85: {  	v2 =	vld [tilespmem:$0x2470];
	_ =	sdelay $0x1  }
0x86: {  	v3 =	vld [tilespmem:$0x2560];
	_ =	sdelay $0x2  }
0x87: {  	v2 =	vperm.xlane v1, v2;
	_ =	sdelay $0x1  }
0x88: {  	v2 =	vadd.s32 v2, v3  }
0x89: {  	[tilespmem:s17+$0xFFFFFFF0] =	vst v2  }
0x8a: {  	v2 =	vld [tilespmem:$0x2480];
	_ =	sdelay $0x1  }
0x8b: {  	v3 =	vld [tilespmem:$0x2570];
	_ =	sdelay $0x2  }
0x8c: {  	v2 =	vperm.xlane v1, v2;
	_ =	sdelay $0x1  }
0x8d: {  	v2 =	vadd.s32 v2, v3  }
0x8e: {  	[tilespmem:s17+$0x0] =	vst v2  }
0x8f: {  	v2 =	vld [tilespmem:$0x2490];
	_ =	sdelay $0x1  }
0x90: {  	v3 =	vld [tilespmem:$0x2580];
	_ =	sdelay $0x2  }
0x91: {  	v2 =	vperm.xlane v1, v2;
	_ =	sdelay $0x1  }
0x92: {  	v2 =	vadd.s32 v2, v3  }
0x93: {  	[tilespmem:s17+$0x10] =	vst v2  }
0x94: {  	v2 =	vld [tilespmem:$0x24A0]  }
0x95: {  	v3 =	vld [tilespmem:$0x2590];
	_ =	sdelay $0x3  }
0x96: {  	v2 =	vperm.xlane v1, v2;
	_ =	sdelay $0x1  }
0x97: {  	v2 =	vadd.s32 v2, v3  }
0x98: {  	[tilespmem:s17+$0x20] =	vst v2  }
0x99: {  	v2 =	vld [tilespmem:$0x24B0]  }
0x9a: {  	v3 =	vld [tilespmem:$0x25A0];
	_ =	sdelay $0x3  }
0x9b: {  	v2 =	vperm.xlane v1, v2;
	_ =	sdelay $0x1  }
0x9c: {  	v2 =	vadd.s32 v2, v3  }
0x9d: {  	[tilespmem:s17+$0x30] =	vst v2  }
0x9e: {  	v2 =	vld [tilespmem:$0x24C0]  }
0x9f: {  	v3 =	vld [tilespmem:$0x25B0];
	_ =	sdelay $0x3  }
0xa0: {  	v2 =	vperm.xlane v1, v2;
	_ =	sdelay $0x1  }
0xa1: {  	v2 =	vadd.s32 v2, v3  }
0xa2: {  	[tilespmem:s17+$0x40] =	vst v2  }
0xa3: {  	v2 =	vld [tilespmem:$0x24D0]  }
0xa4: {  	v3 =	vld [tilespmem:$0x25C0];
	_ =	sdelay $0x3  }
0xa5: {  	v2 =	vperm.xlane v1, v2;
	_ =	sdelay $0x1  }
0xa6: {  	v2 =	vadd.s32 v2, v3  }
0xa7: {  	[tilespmem:s17+$0x50] =	vst v2  }
0xa8: {  	v2 =	vld [tilespmem:$0x24E0]  }
0xa9: {  	v3 =	vld [tilespmem:$0x25D0];
	_ =	sdelay $0x3  }
0xaa: {  	v2 =	vperm.xlane v1, v2;
	_ =	sdelay $0x1  }
0xab: {  	v2 =	vadd.s32 v2, v3  }
0xac: {  	[tilespmem:s17+$0x60] =	vst v2  }
0xad: {  	v2 =	vld [tilespmem:$0x24F0]  }
0xae: {  	v3 =	vld [tilespmem:$0x25E0];
	_ =	sdelay $0x1  }
.Ltmp0:
0xaf: {  	(pc) =	sbr.rel @p0 .LBB2_2-.Ltmp0, $3  }
0xb0: {  	_ = 	snop  }
0xb1: {  	v1 =	vperm.xlane v1, v2;
	_ =	sdelay $0x1  }
0xb2: {  	s20 =	smov.u32 s19;
	v1 =	vadd.s32 v1, v3  }
0xb3: {  	_ =	sdelay $0x2  }
0xb4: {  	s18 =	sshra.s32 s18, $0x2;
	[tilespmem:s17+$0x70] =	vst v1  }
0xb5: {  	v1 =	vld.idx.msk [tilespmem:v0+s18+$0x0 ss:$0x1], $0xffff  }
0xb6: {  	v2 =	vld [tilespmem:$0x2410];
	_ =	sdelay $0x1  }
0xb7: {  	v3 =	vld [tilespmem:$0x2500];
	_ =	sdelay $0x2  }
0xb8: {  	v2 =	vperm.xlane v1, v2;
	_ =	sdelay $0x1  }
0xb9: {  	s31 =	sadd.s32 $0xF0, s17;
	v2 =	vadd.s32 v2, v3  }
0xba: {  	[tilespmem:s31+$0xFFFFFF90] =	vst v2  }
0xbb: {  	v2 =	vld [tilespmem:$0x2420];
	_ =	sdelay $0x1  }
0xbc: {  	v3 =	vld [tilespmem:$0x2510];
	_ =	sdelay $0x2  }
0xbd: {  	v2 =	vperm.xlane v1, v2;
	_ =	sdelay $0x1  }
0xbe: {  	v2 =	vadd.s32 v2, v3  }
0xbf: {  	[tilespmem:s31+$0xFFFFFFA0] =	vst v2  }
0xc0: {  	v2 =	vld [tilespmem:$0x2430];
	_ =	sdelay $0x1  }
0xc1: {  	v3 =	vld [tilespmem:$0x2520];
	_ =	sdelay $0x2  }
0xc2: {  	v2 =	vperm.xlane v1, v2;
	_ =	sdelay $0x1  }
0xc3: {  	v2 =	vadd.s32 v2, v3  }
0xc4: {  	[tilespmem:s31+$0xFFFFFFB0] =	vst v2  }
0xc5: {  	v2 =	vld [tilespmem:$0x2440];
	_ =	sdelay $0x1  }
0xc6: {  	v3 =	vld [tilespmem:$0x2530];
	_ =	sdelay $0x2  }
0xc7: {  	v2 =	vperm.xlane v1, v2;
	_ =	sdelay $0x1  }
0xc8: {  	v2 =	vadd.s32 v2, v3  }
0xc9: {  	[tilespmem:s31+$0xFFFFFFC0] =	vst v2  }
0xca: {  	v2 =	vld [tilespmem:$0x2450];
	_ =	sdelay $0x1  }
0xcb: {  	v3 =	vld [tilespmem:$0x2540];
	_ =	sdelay $0x2  }
0xcc: {  	v2 =	vperm.xlane v1, v2;
	_ =	sdelay $0x1  }
0xcd: {  	v2 =	vadd.s32 v2, v3  }
0xce: {  	[tilespmem:s31+$0xFFFFFFD0] =	vst v2  }
0xcf: {  	v2 =	vld [tilespmem:$0x2460];
	_ =	sdelay $0x1  }
0xd0: {  	v3 =	vld [tilespmem:$0x2550];
	_ =	sdelay $0x2  }
0xd1: {  	v2 =	vperm.xlane v1, v2;
	_ =	sdelay $0x1  }
0xd2: {  	v2 =	vadd.s32 v2, v3  }
0xd3: {  	[tilespmem:s31+$0xFFFFFFE0] =	vst v2  }
0xd4: {  	v2 =	vld [tilespmem:$0x2470];
	_ =	sdelay $0x1  }
0xd5: {  	v3 =	vld [tilespmem:$0x2560];
	_ =	sdelay $0x2  }
0xd6: {  	v2 =	vperm.xlane v1, v2;
	_ =	sdelay $0x1  }
0xd7: {  	v2 =	vadd.s32 v2, v3  }
0xd8: {  	[tilespmem:s31+$0xFFFFFFF0] =	vst v2  }
0xd9: {  	v2 =	vld [tilespmem:$0x2480];
	_ =	sdelay $0x1  }
0xda: {  	v3 =	vld [tilespmem:$0x2570];
	_ =	sdelay $0x2  }
0xdb: {  	v2 =	vperm.xlane v1, v2;
	_ =	sdelay $0x1  }
0xdc: {  	v2 =	vadd.s32 v2, v3  }
0xdd: {  	[tilespmem:s31+$0x0] =	vst v2  }
0xde: {  	v2 =	vld [tilespmem:$0x2490];
	_ =	sdelay $0x1  }
0xdf: {  	v3 =	vld [tilespmem:$0x2580];
	_ =	sdelay $0x2  }
0xe0: {  	v2 =	vperm.xlane v1, v2;
	_ =	sdelay $0x1  }
0xe1: {  	v2 =	vadd.s32 v2, v3  }
0xe2: {  	[tilespmem:s31+$0x10] =	vst v2  }
0xe3: {  	v2 =	vld [tilespmem:$0x24A0];
	_ =	sdelay $0x1  }
0xe4: {  	v3 =	vld [tilespmem:$0x2590];
	_ =	sdelay $0x2  }
0xe5: {  	v2 =	vperm.xlane v1, v2;
	_ =	sdelay $0x1  }
0xe6: {  	v2 =	vadd.s32 v2, v3  }
0xe7: {  	[tilespmem:s31+$0x20] =	vst v2  }
0xe8: {  	v2 =	vld [tilespmem:$0x24B0];
	_ =	sdelay $0x1  }
0xe9: {  	v3 =	vld [tilespmem:$0x25A0];
	_ =	sdelay $0x2  }
0xea: {  	v2 =	vperm.xlane v1, v2;
	_ =	sdelay $0x1  }
0xeb: {  	v2 =	vadd.s32 v2, v3  }
0xec: {  	[tilespmem:s31+$0x30] =	vst v2  }
0xed: {  	v2 =	vld [tilespmem:$0x24C0];
	_ =	sdelay $0x1  }
0xee: {  	v3 =	vld [tilespmem:$0x25B0];
	_ =	sdelay $0x2  }
0xef: {  	v2 =	vperm.xlane v1, v2;
	_ =	sdelay $0x1  }
0xf0: {  	v2 =	vadd.s32 v2, v3  }
0xf1: {  	[tilespmem:s31+$0x40] =	vst v2  }
0xf2: {  	v2 =	vld [tilespmem:$0x24D0];
	_ =	sdelay $0x1  }
0xf3: {  	v3 =	vld [tilespmem:$0x25C0];
	_ =	sdelay $0x2  }
0xf4: {  	v2 =	vperm.xlane v1, v2;
	_ =	sdelay $0x1  }
0xf5: {  	v2 =	vadd.s32 v2, v3  }
0xf6: {  	[tilespmem:s31+$0x50] =	vst v2  }
0xf7: {  	v2 =	vld [tilespmem:$0x24E0];
	_ =	sdelay $0x1  }
0xf8: {  	v3 =	vld [tilespmem:$0x25D0];
	_ =	sdelay $0x2  }
0xf9: {  	v2 =	vperm.xlane v1, v2;
	_ =	sdelay $0x1  }
0xfa: {  	v2 =	vadd.s32 v2, v3  }
0xfb: {  	[tilespmem:s31+$0x60] =	vst v2  }
0xfc: {  	v2 =	vld [tilespmem:$0x24F0];
	_ =	sdelay $0x1  }
0xfd: {  	v3 =	vld [tilespmem:$0x25E0];
	_ =	sdelay $0x2  }
0xfe: {  	v1 =	vperm.xlane v1, v2;
	_ =	sdelay $0x1  }
0xff: {  	v1 =	vadd.s32 v1, v3  }
0x100: {  	[tilespmem:s31+$0x70] =	vst v1  }
0x101: {  	[tilespmem:s14], [sflag:$0x1] =	stream.indirect.gather [hbm4b:s1+s12], $0x1, s13, s12, $0xb8;
	[tilespmem:$0x6970] =	vst v63  }
0x102: {  	s16 =	sadd.s32 $0x1, s16;
	_ =	swait.ge [sflag:s15], $0x21C0  }
0x103: {  	p0 =	sne.s32 s16, s8;
	[sflag:s15] =	ssyncset.done $0x0  }
.Ltmp1:
0x104: {  	[sflag:s15] =	ssyncadd.s32 $0xFFFFDE40;
	(pc) =	sbr.rel @p0 .LBB2_1-.Ltmp1, $4  }
0x105: {  	[hbm4b:s7+s4] =	stream.linear.scatter [tilespmem:s14], [sflag:$0x2], $0x21C0, $0x38;
	[tilespmem:$0x6970] =	vst v63  }
0x106: {  	_ =	swait.ge [sflag:s9], $0x21C0  }
0x107: {  	[sflag:s9] =	ssyncset.done $0x0  }
0x108: {  	[sflag:s9] =	ssyncadd.s32 $0xFFFFDE40  }
0x109: {  	_ =	sfence.sel $0x180000  }
0x10a: {  	[bflag:$0x0] =	sbarrier.arrive $0xFFFF  }
0x10b: {  	p0 =	sne.s32 s0, $0x0;
	_ =	strace $0x90000047  }
0x10c: {  	s0 =	sadd.s32 @!p0 $0x100000, s2;
	[bflag:$0x2] =	sbarrier.arrive $0xFFFF  }
0x10d: {  	[sflag:s0] =	ssyncadd.tile.s32 @!p0 $0x1;
	_ =	shalt  }
.Lfunc_end2:
_tile_overlayer_lowered:
.L_overlay_start_2:
0x10e: {  	(tag) =	ssettag $0x2  }
0x10f: {  	s0 =	rddreg [dreg:$0x0];
	s2 =	stileid.u32  }
0x110: {  	s1 =	rddreg [dreg:$0x1];
	p0 =	sne.s32 s2, $0x0  }
0x111: {  	s3 =	rddreg [dreg:$0x2];
	[bflag:$0x3] =	sbarrier.arrive $0xFFFF;
	s2 =	simm.s32 @!p0 $0x1C02  }
0x112: {  	[timem:s3], [sflag:s2] =	dma.local @!p0 [hbm:s0], s1  }
0x113: {  	s0 =	simm.s32 @!p0 $0x2  }
0x114: {  	_ =	swait.ge @!p0 [sflag:s0], s1  }
0x115: {  	s1 =	ssub.s32 @!p0 $0x0, s1;
	[sflag:s0] =	ssyncset.done @!p0 $0x0  }
0x116: {  	[sflag:s0] =	ssyncadd.s32 @!p0 s1  }
0x117: {  	[bflag:$0x3] =	sbarrier.arrive $0xFFFF  }
0x118: {  	_ =	shalt  }

</sc_bundles>
